<compile_context>
chip_gen: v7x
topology: tpu7x:2x2x1
jax: 0.10.2.dev20260603
libtpu: 0.0.44.dev20260713+nightly
codegen_flags: <defaults>
</compile_context>

<pallas_src>
import jax
import jax.numpy as jnp
from jax import lax
from jax.experimental import pallas as pl
from jax.experimental.pallas import tpu as pltpu
from jax.experimental.pallas import tpu_sc as plsc

PCODE_DIM = 2380
FEATURE_DIM = 64
B, H, W = 1024, 19, 19
N = B * H * W
CHUNK = 512
NUM_CHUNKS = N // CHUNK

_info = plsc.get_sparse_core_info()
NC, NS, LANES = _info.num_cores, _info.num_subcores, _info.num_lanes
NW = NC * NS
FULL_TRIPS = NUM_CHUNKS // NW
REM = NUM_CHUNKS % NW


def _sc_body(table_hbm, pc0_hbm, pc1_hbm, bd0_hbm, bd1_hbm, out_hbm,
             pc0_v, pc1_v, bd0_v, bd1_v, idx0_v, idx1_v,
             rows0_v, rows1_v, sem0, sem1):
    wid = lax.axis_index("s") * NC + lax.axis_index("c")
    ntrips = FULL_TRIPS + jnp.where(wid < REM, 1, 0)

    def chunk_step(j, carry):
        chunk = wid + j * NW
        base = chunk * CHUNK

        pltpu.sync_copy(pc0_hbm.at[pl.ds(base, CHUNK)], pc0_v)
        pltpu.sync_copy(pc1_hbm.at[pl.ds(base, CHUNK)], pc1_v)
        pltpu.sync_copy(bd0_hbm.at[pl.ds(base, CHUNK)], bd0_v)
        pltpu.sync_copy(bd1_hbm.at[pl.ds(base, CHUNK)], bd1_v)

        def mask_step(i, c):
            s = pl.ds(i * LANES, LANES)
            occ0 = bd0_v[s] > 0.0
            occ1 = bd1_v[s] > 0.0
            idx0_v[s] = jnp.where(occ0, PCODE_DIM, pc0_v[s])
            idx1_v[s] = jnp.where(occ1, PCODE_DIM, pc1_v[s]) + (PCODE_DIM + 1)
            return c

        lax.fori_loop(0, CHUNK // LANES, mask_step, 0)

        cp0 = pltpu.async_copy(table_hbm.at[idx0_v], rows0_v, sem0)
        cp1 = pltpu.async_copy(table_hbm.at[idx1_v], rows1_v, sem1)
        cp0.wait()
        cp1.wait()

        def add_step(r, c):
            for k in range(FEATURE_DIM // LANES):
                s = pl.ds(k * LANES, LANES)
                plsc.addupdate(rows0_v.at[r, s], rows1_v[r, s])
            return c

        lax.fori_loop(0, CHUNK, add_step, 0)

        pltpu.sync_copy(rows0_v, out_hbm.at[chunk])
        return carry

    lax.fori_loop(0, ntrips, chunk_step, 0)


@jax.jit
def _sc_gather_sum(table, pc0, pc1, bd0, bd1):
    mesh = plsc.VectorSubcoreMesh(core_axis_name="c", subcore_axis_name="s")
    return pl.kernel(
        _sc_body,
        out_type=jax.ShapeDtypeStruct((NUM_CHUNKS, CHUNK, FEATURE_DIM),
                                      jnp.float32),
        mesh=mesh,
        compiler_params=pltpu.CompilerParams(use_tc_tiling_on_sc=False),
        scratch_types=[
            pltpu.VMEM((CHUNK,), jnp.int32),
            pltpu.VMEM((CHUNK,), jnp.int32),
            pltpu.VMEM((CHUNK,), jnp.float32),
            pltpu.VMEM((CHUNK,), jnp.float32),
            pltpu.VMEM((CHUNK,), jnp.int32),
            pltpu.VMEM((CHUNK,), jnp.int32),
            pltpu.VMEM((CHUNK, FEATURE_DIM), jnp.float32),
            pltpu.VMEM((CHUNK, FEATURE_DIM), jnp.float32),
            pltpu.SemaphoreType.DMA,
            pltpu.SemaphoreType.DMA,
        ],
    )(table, pc0, pc1, bd0, bd1)


def kernel(sparse_feature_input, board_input, sparse_feature_dim, pcode_table):
    del sparse_feature_dim
    pc0 = sparse_feature_input[:, 10].reshape(N)
    pc1 = sparse_feature_input[:, 11].reshape(N)
    bd0 = board_input[:, 0].reshape(N)
    bd1 = board_input[:, 1].reshape(N)
    flat = _sc_gather_sum(pcode_table, pc0, pc1, bd0, bd1)
    feat = flat.reshape(B, H, W, FEATURE_DIM)
    return jnp.transpose(feat, (0, 3, 1, 2))

# --- scband reference (transcript-rebuilt; emitter-appended) ---
"""Pipeline reference for scband-pattern-code-embedding-9680856285690 (READ-ONLY COPY).

The authoritative reference and input builder live on the scoring server;
editing this copy changes nothing except your own understanding.
"""

import jax, jax.numpy as jnp
import numpy as np

PCODE_DIM = 2380
FEATURE_DIM = 64
B, H, W = 1024, 19, 19


def setup_inputs(seed: int = 0) -> dict:
    key = jax.random.key(seed)
    k1, k2, k3 = jax.random.split(key, 3)
    # pattern-code planes: 12 sparse feature planes, channels 10 and 11 hold pcode ids in [0, PCODE_DIM)
    sparse_feature_input = jax.random.randint(k1, (B, 12, H, W), 0, PCODE_DIM, dtype=jnp.int32)
    # board occupancy planes for the two pcode channels; positive -> cell occupied -> masked to PCODE_DIM
    board_input = jax.random.normal(k2, (B, 2, H, W), dtype=jnp.float32)
    # per-sample feature-dim descriptor; the torch module asserts cols 10:12 == pcode_dim, so fill with the constant
    sparse_feature_dim = jnp.full((B, 12), PCODE_DIM, dtype=jnp.int32)
    # learned embedding table: num_embeddings = 2*(pcode_dim+1)
    pcode_table = jax.random.normal(k3, (2 * (PCODE_DIM + 1), FEATURE_DIM), dtype=jnp.float32) * 0.02
    return {
        "sparse_feature_input": sparse_feature_input,
        "board_input": board_input,
        "sparse_feature_dim": sparse_feature_dim,
        "pcode_table": pcode_table,
    }


def reference(sparse_feature_input, board_input, sparse_feature_dim, pcode_table):
    # (torch module asserts sparse_feature_dim[:, 10:12] == PCODE_DIM; it's a runtime check, no computation)
    pcode = sparse_feature_input[:, jnp.array([10, 11])]          # [B, 2, H, W] int
    # masked_fill_: occupied cells map to the reserved index PCODE_DIM
    pcode = jnp.where(board_input > 0, PCODE_DIM, pcode)
    # second channel offset into the second half of the table
    pcode = pcode.at[:, 1].add(PCODE_DIM + 1)
    feat = jnp.take(pcode_table, pcode, axis=0)                   # [B, 2, H, W, D]
    feat = jnp.sum(feat, axis=1)                                  # [B, H, W, D]
    feat = jnp.transpose(feat, (0, 3, 1, 2))                      # [B, D, H, W]
    return feat

if __name__ == "__main__":
    import jax
    _d = setup_inputs()
    print(jax.jit(kernel)(*tuple(_d.values())))

</pallas_src>

<mosaic_0001>
#map = affine_map<(d0, d1) -> (0, 0)>
#map1 = affine_map<(d0, d1) -> (0)>
#map2 = affine_map<(d0, d1) -> (0, 0, 0)>
module attributes {stable_mosaic.version = 14 : i64} {
  func.func @_sc_body(%arg0: i32, %arg1: i32, %arg2: memref<4762x64xf32, #tpu.memory_space<hbm>>, %arg3: memref<369664xi32, #tpu.memory_space<hbm>>, %arg4: memref<369664xi32, #tpu.memory_space<hbm>>, %arg5: memref<369664xf32, #tpu.memory_space<hbm>>, %arg6: memref<369664xf32, #tpu.memory_space<hbm>>, %arg7: memref<722x512x64xf32, #tpu.memory_space<hbm>>, %arg8: memref<512xi32, #tpu.memory_space<vmem>>, %arg9: memref<512xi32, #tpu.memory_space<vmem>>, %arg10: memref<512xf32, #tpu.memory_space<vmem>>, %arg11: memref<512xf32, #tpu.memory_space<vmem>>, %arg12: memref<512xi32, #tpu.memory_space<vmem>>, %arg13: memref<512xi32, #tpu.memory_space<vmem>>, %arg14: memref<512x64xf32, #tpu.memory_space<vmem>>, %arg15: memref<512x64xf32, #tpu.memory_space<vmem>>, %arg16: memref<!tpu.dma_semaphore, #tpu.memory_space<semaphore_mem>>, %arg17: memref<!tpu.dma_semaphore, #tpu.memory_space<semaphore_mem>>) attributes {dimension_semantics = [#tpu.dimension_semantics<core_parallel>, #tpu.dimension_semantics<subcore_parallel>], iteration_bounds = array<i64: 2, 16>, scalar_prefetch = 0 : i64, scratch_operands = 10 : i64, tpu.core_type = #tpu.core_type<sc_vector_subcore>, window_params = [{transform_indices = #map}, {transform_indices = #map1}, {transform_indices = #map1}, {transform_indices = #map1}, {transform_indices = #map1}, {transform_indices = #map2}]} {
    %mul3A = arith.constant 2 : i32
    %mul3A_0 = arith.muli %arg1, %mul3A : i32
    %add3A = arith.addi %mul3A_0, %arg0 : i32
    %lt3A = arith.constant 18 : i32
    %lt3A_1 = arith.cmpi slt, %add3A, %lt3A : i32
    %jit3A = arith.constant 1 : i32
    %jit3A_2 = arith.constant 0 : i32
    %select_n3A = arith.select %lt3A_1, %jit3A, %jit3A_2 : i32
    %add3A_3 = arith.constant 22 : i32
    %add3A_4 = arith.addi %add3A_3, %select_n3A : i32
    %while3A = arith.constant 0 : i32
    %while3A_5 = arith.constant 0 : i32
    %while3A_6 = arith.subi %add3A_4, %while3A_5 : i32
    %while3A_7 = arith.addi %while3A_5, %while3A_6 : i32
    %while3A_8 = arith.constant 1 : i32
    %while3A_9 = arith.divsi %while3A_6, %while3A_8 : i32
    %while3A_10 = arith.muli %while3A_9, %while3A_8 : i32
    %while3A_11 = arith.addi %while3A_5, %while3A_10 : i32
    %while3A_12 = arith.constant 1 : i32
    scf.for %while3A_14 = %while3A_5 to %while3A_11 step %while3A_12  : i32 {
      %mul3A_15 = arith.constant 32 : i32
      %mul3A_16 = arith.muli %while3A_14, %mul3A_15 : i32
      %add3A_17 = arith.addi %add3A, %mul3A_16 : i32
      %mul3A_18 = arith.constant 512 : i32
      %mul3A_19 = arith.muli %add3A_17, %mul3A_18 : i32
      "tpu.region"() ({
        %run_scoped3A = tpu.sem_alloc : memref<!tpu.dma_semaphore, #tpu.memory_space<semaphore_mem>>
        %dma_start3A_41 = tpu.memref_slice %arg3[%mul3A_19] : memref<369664xi32, #tpu.memory_space<hbm>> -> memref<512xi32, #tpu.memory_space<hbm>>
        %dma_start3A_42 = tpu.memref_slice %arg3[%mul3A_19] : memref<369664xi32, #tpu.memory_space<hbm>> -> memref<512xi32, #tpu.memory_space<hbm>>
        tpu.enqueue_dma source(%dma_start3A_42 : memref<512xi32, #tpu.memory_space<hbm>>) target(%arg8 : memref<512xi32, #tpu.memory_space<vmem>>) target_semaphore(%run_scoped3A : memref<!tpu.dma_semaphore, #tpu.memory_space<semaphore_mem>>)
        %dma_wait3A_43 = tpu.memref_slice %arg3[%mul3A_19] : memref<369664xi32, #tpu.memory_space<hbm>> -> memref<512xi32, #tpu.memory_space<hbm>>
        %dma_wait3A_44 = tpu.memref_slice %arg3[%mul3A_19] : memref<369664xi32, #tpu.memory_space<hbm>> -> memref<512xi32, #tpu.memory_space<hbm>>
        tpu.wait_dma2 semaphore(%run_scoped3A : memref<!tpu.dma_semaphore, #tpu.memory_space<semaphore_mem>>) src(%dma_wait3A_44 : memref<512xi32, #tpu.memory_space<hbm>>) dst(%arg8 : memref<512xi32, #tpu.memory_space<vmem>>)
        tpu.yield
      }) : () -> ()
      "tpu.region"() ({
        %run_scoped3A = tpu.sem_alloc : memref<!tpu.dma_semaphore, #tpu.memory_space<semaphore_mem>>
        %dma_start3A_41 = tpu.memref_slice %arg4[%mul3A_19] : memref<369664xi32, #tpu.memory_space<hbm>> -> memref<512xi32, #tpu.memory_space<hbm>>
        %dma_start3A_42 = tpu.memref_slice %arg4[%mul3A_19] : memref<369664xi32, #tpu.memory_space<hbm>> -> memref<512xi32, #tpu.memory_space<hbm>>
        tpu.enqueue_dma source(%dma_start3A_42 : memref<512xi32, #tpu.memory_space<hbm>>) target(%arg9 : memref<512xi32, #tpu.memory_space<vmem>>) target_semaphore(%run_scoped3A : memref<!tpu.dma_semaphore, #tpu.memory_space<semaphore_mem>>)
        %dma_wait3A_43 = tpu.memref_slice %arg4[%mul3A_19] : memref<369664xi32, #tpu.memory_space<hbm>> -> memref<512xi32, #tpu.memory_space<hbm>>
        %dma_wait3A_44 = tpu.memref_slice %arg4[%mul3A_19] : memref<369664xi32, #tpu.memory_space<hbm>> -> memref<512xi32, #tpu.memory_space<hbm>>
        tpu.wait_dma2 semaphore(%run_scoped3A : memref<!tpu.dma_semaphore, #tpu.memory_space<semaphore_mem>>) src(%dma_wait3A_44 : memref<512xi32, #tpu.memory_space<hbm>>) dst(%arg9 : memref<512xi32, #tpu.memory_space<vmem>>)
        tpu.yield
      }) : () -> ()
      "tpu.region"() ({
        %run_scoped3A = tpu.sem_alloc : memref<!tpu.dma_semaphore, #tpu.memory_space<semaphore_mem>>
        %dma_start3A_41 = tpu.memref_slice %arg5[%mul3A_19] : memref<369664xf32, #tpu.memory_space<hbm>> -> memref<512xf32, #tpu.memory_space<hbm>>
        %dma_start3A_42 = tpu.memref_slice %arg5[%mul3A_19] : memref<369664xf32, #tpu.memory_space<hbm>> -> memref<512xf32, #tpu.memory_space<hbm>>
        tpu.enqueue_dma source(%dma_start3A_42 : memref<512xf32, #tpu.memory_space<hbm>>) target(%arg10 : memref<512xf32, #tpu.memory_space<vmem>>) target_semaphore(%run_scoped3A : memref<!tpu.dma_semaphore, #tpu.memory_space<semaphore_mem>>)
        %dma_wait3A_43 = tpu.memref_slice %arg5[%mul3A_19] : memref<369664xf32, #tpu.memory_space<hbm>> -> memref<512xf32, #tpu.memory_space<hbm>>
        %dma_wait3A_44 = tpu.memref_slice %arg5[%mul3A_19] : memref<369664xf32, #tpu.memory_space<hbm>> -> memref<512xf32, #tpu.memory_space<hbm>>
        tpu.wait_dma2 semaphore(%run_scoped3A : memref<!tpu.dma_semaphore, #tpu.memory_space<semaphore_mem>>) src(%dma_wait3A_44 : memref<512xf32, #tpu.memory_space<hbm>>) dst(%arg10 : memref<512xf32, #tpu.memory_space<vmem>>)
        tpu.yield
      }) : () -> ()
      "tpu.region"() ({
        %run_scoped3A = tpu.sem_alloc : memref<!tpu.dma_semaphore, #tpu.memory_space<semaphore_mem>>
        %dma_start3A_41 = tpu.memref_slice %arg6[%mul3A_19] : memref<369664xf32, #tpu.memory_space<hbm>> -> memref<512xf32, #tpu.memory_space<hbm>>
        %dma_start3A_42 = tpu.memref_slice %arg6[%mul3A_19] : memref<369664xf32, #tpu.memory_space<hbm>> -> memref<512xf32, #tpu.memory_space<hbm>>
        tpu.enqueue_dma source(%dma_start3A_42 : memref<512xf32, #tpu.memory_space<hbm>>) target(%arg11 : memref<512xf32, #tpu.memory_space<vmem>>) target_semaphore(%run_scoped3A : memref<!tpu.dma_semaphore, #tpu.memory_space<semaphore_mem>>)
        %dma_wait3A_43 = tpu.memref_slice %arg6[%mul3A_19] : memref<369664xf32, #tpu.memory_space<hbm>> -> memref<512xf32, #tpu.memory_space<hbm>>
        %dma_wait3A_44 = tpu.memref_slice %arg6[%mul3A_19] : memref<369664xf32, #tpu.memory_space<hbm>> -> memref<512xf32, #tpu.memory_space<hbm>>
        tpu.wait_dma2 semaphore(%run_scoped3A : memref<!tpu.dma_semaphore, #tpu.memory_space<semaphore_mem>>) src(%dma_wait3A_44 : memref<512xf32, #tpu.memory_space<hbm>>) dst(%arg11 : memref<512xf32, #tpu.memory_space<vmem>>)
        tpu.yield
      }) : () -> ()
      %scan3A = arith.constant 0 : i32
      %scan3A_20 = arith.constant 0 : i32
      %scan3A_21 = arith.constant 32 : i32
      %scan3A_22 = arith.addi %scan3A_20, %scan3A_21 : i32
      %scan3A_23 = arith.constant 1 : i32
      scf.for %scan3A_41 = %scan3A_20 to %scan3A_22 step %scan3A_23  : i32 {
        %mul3A_42 = arith.constant 16 : i32
        %mul3A_43 = arith.muli %scan3A_41, %mul3A_42 : i32
        %get3A = arith.index_cast %mul3A_43 : i32 to index
        %get3A_44 = tpu.vector_load %arg10[%get3A] {strides = array<i32>} : memref<512xf32, #tpu.memory_space<vmem>>, vector<16xf32>,
        %get3A_45 = vector.shape_cast %get3A_44 : vector<16xf32> to vector<16xf32>
        %gt3A = arith.constant 0.000000e+00 : f32
        %gt3A_46 = vector.broadcast %gt3A : f32 to vector<16xf32>
        %gt3A_47 = arith.cmpf ogt, %get3A_45, %gt3A_46 : vector<16xf32>
        %get3A_48 = arith.index_cast %mul3A_43 : i32 to index
        %get3A_49 = tpu.vector_load %arg11[%get3A_48] {strides = array<i32>} : memref<512xf32, #tpu.memory_space<vmem>>, vector<16xf32>,
        %get3A_50 = vector.shape_cast %get3A_49 : vector<16xf32> to vector<16xf32>
        %gt3A_51 = arith.constant 0.000000e+00 : f32
        %gt3A_52 = vector.broadcast %gt3A_51 : f32 to vector<16xf32>
        %gt3A_53 = arith.cmpf ogt, %get3A_50, %gt3A_52 : vector<16xf32>
        %get3A_54 = arith.index_cast %mul3A_43 : i32 to index
        %get3A_55 = tpu.vector_load %arg8[%get3A_54] {strides = array<i32>} : memref<512xi32, #tpu.memory_space<vmem>>, vector<16xi32>,
        %get3A_56 = vector.shape_cast %get3A_55 : vector<16xi32> to vector<16xi32>
        %jit3A_57 = arith.constant 2380 : i32
        %broadcast_in_dim3A = vector.broadcast %jit3A_57 : i32 to vector<16xi32>
        %select_n3A_58 = arith.select %gt3A_47, %broadcast_in_dim3A, %get3A_56 : vector<16xi1>, vector<16xi32>
        %swap3A = arith.index_cast %mul3A_43 : i32 to index
        %swap3A_59 = tpu.vector_load %arg12[%swap3A] {strides = array<i32>} : memref<512xi32, #tpu.memory_space<vmem>>, vector<16xi32>,
        %swap3A_60 = vector.shape_cast %swap3A_59 : vector<16xi32> to vector<16xi32>
        %swap3A_61 = vector.shape_cast %select_n3A_58 : vector<16xi32> to vector<16xi32>
        tpu.vector_store %arg12[%swap3A], %swap3A_61 {strides = array<i32>} : memref<512xi32, #tpu.memory_space<vmem>>, vector<16xi32>,
        %get3A_62 = arith.index_cast %mul3A_43 : i32 to index
        %get3A_63 = tpu.vector_load %arg9[%get3A_62] {strides = array<i32>} : memref<512xi32, #tpu.memory_space<vmem>>, vector<16xi32>,
        %get3A_64 = vector.shape_cast %get3A_63 : vector<16xi32> to vector<16xi32>
        %jit3A_65 = arith.constant 2380 : i32
        %broadcast_in_dim3A_66 = vector.broadcast %jit3A_65 : i32 to vector<16xi32>
        %select_n3A_67 = arith.select %gt3A_53, %broadcast_in_dim3A_66, %get3A_64 : vector<16xi1>, vector<16xi32>
        %add3A_68 = arith.constant 2381 : i32
        %add3A_69 = vector.broadcast %add3A_68 : i32 to vector<16xi32>
        %add3A_70 = arith.addi %select_n3A_67, %add3A_69 : vector<16xi32>
        %swap3A_71 = arith.index_cast %mul3A_43 : i32 to index
        %swap3A_72 = tpu.vector_load %arg13[%swap3A_71] {strides = array<i32>} : memref<512xi32, #tpu.memory_space<vmem>>, vector<16xi32>,
        %swap3A_73 = vector.shape_cast %swap3A_72 : vector<16xi32> to vector<16xi32>
        %swap3A_74 = vector.shape_cast %add3A_70 : vector<16xi32> to vector<16xi32>
        tpu.vector_store %arg13[%swap3A_71], %swap3A_74 {strides = array<i32>} : memref<512xi32, #tpu.memory_space<vmem>>, vector<16xi32>,
      }
      %scan3A_24 = arith.constant 32 : i32
      %dma_start3A = arith.constant 0 : i32
      %dma_start3A_25 = arith.constant 0 : i32
      %dma_start3A_26 = tpu.memref_slice %arg2[%dma_start3A, %dma_start3A_25] : memref<4762x64xf32, #tpu.memory_space<hbm>> -> memref<4762x64xf32, #tpu.memory_space<hbm>>
      tpu.enqueue_indirect_dma source(%dma_start3A_26 : memref<4762x64xf32, #tpu.memory_space<hbm>>) target(%arg14 : memref<512x64xf32, #tpu.memory_space<vmem>>) offsets(%arg12 : memref<512xi32, #tpu.memory_space<vmem>>) semaphore(%arg16 : memref<!tpu.dma_semaphore, #tpu.memory_space<semaphore_mem>>)
      %dma_start3A_27 = arith.constant 0 : i32
      %dma_start3A_28 = arith.constant 0 : i32
      %dma_start3A_29 = tpu.memref_slice %arg2[%dma_start3A_27, %dma_start3A_28] : memref<4762x64xf32, #tpu.memory_space<hbm>> -> memref<4762x64xf32, #tpu.memory_space<hbm>>
      tpu.enqueue_indirect_dma source(%dma_start3A_29 : memref<4762x64xf32, #tpu.memory_space<hbm>>) target(%arg15 : memref<512x64xf32, #tpu.memory_space<vmem>>) offsets(%arg13 : memref<512xi32, #tpu.memory_space<vmem>>) semaphore(%arg17 : memref<!tpu.dma_semaphore, #tpu.memory_space<semaphore_mem>>)
      %dma_wait3A = arith.constant 0 : i32
      %dma_wait3A_30 = arith.constant 0 : i32
      %dma_wait3A_31 = tpu.memref_slice %arg2[%dma_wait3A, %dma_wait3A_30] : memref<4762x64xf32, #tpu.memory_space<hbm>> -> memref<4762x64xf32, #tpu.memory_space<hbm>>
      tpu.wait_indirect_dma semaphore(%arg16 : memref<!tpu.dma_semaphore, #tpu.memory_space<semaphore_mem>>) src(%dma_wait3A_31 : memref<4762x64xf32, #tpu.memory_space<hbm>>) dst(%arg14 : memref<512x64xf32, #tpu.memory_space<vmem>>)
      %dma_wait3A_32 = arith.constant 0 : i32
      %dma_wait3A_33 = arith.constant 0 : i32
      %dma_wait3A_34 = tpu.memref_slice %arg2[%dma_wait3A_32, %dma_wait3A_33] : memref<4762x64xf32, #tpu.memory_space<hbm>> -> memref<4762x64xf32, #tpu.memory_space<hbm>>
      tpu.wait_indirect_dma semaphore(%arg17 : memref<!tpu.dma_semaphore, #tpu.memory_space<semaphore_mem>>) src(%dma_wait3A_34 : memref<4762x64xf32, #tpu.memory_space<hbm>>) dst(%arg15 : memref<512x64xf32, #tpu.memory_space<vmem>>)
      %scan3A_35 = arith.constant 0 : i32
      %scan3A_36 = arith.constant 0 : i32
      %scan3A_37 = arith.constant 512 : i32
      %scan3A_38 = arith.addi %scan3A_36, %scan3A_37 : i32
      %scan3A_39 = arith.constant 1 : i32
      scf.for %scan3A_41 = %scan3A_36 to %scan3A_38 step %scan3A_39  : i32 {
        %get3A = arith.index_cast %scan3A_41 : i32 to index
        %get3A_42 = arith.constant 0 : index
        %get3A_43 = tpu.vector_load %arg15[%get3A, %get3A_42] {strides = array<i32>} : memref<512x64xf32, #tpu.memory_space<vmem>>, vector<1x16xf32>,
        %get3A_44 = vector.shape_cast %get3A_43 : vector<1x16xf32> to vector<16xf32>
        %swap3A = arith.index_cast %scan3A_41 : i32 to index
        %swap3A_45 = arith.constant 0 : index
        %swap3A_46 = tpu.vector_load %arg14[%swap3A, %swap3A_45] {strides = array<i32>} : memref<512x64xf32, #tpu.memory_space<vmem>>, vector<1x16xf32>,
        %swap3A_47 = vector.shape_cast %swap3A_46 : vector<1x16xf32> to vector<16xf32>
        %swap3A_48 = vector.shape_cast %get3A_44 : vector<16xf32> to vector<1x16xf32>
        tpu.vector_store %arg14[%swap3A, %swap3A_45], %swap3A_48 {add = true, strides = array<i32>} : memref<512x64xf32, #tpu.memory_space<vmem>>, vector<1x16xf32>,
        %get3A_49 = arith.index_cast %scan3A_41 : i32 to index
        %get3A_50 = arith.constant 16 : index
        %get3A_51 = tpu.vector_load %arg15[%get3A_49, %get3A_50] {strides = array<i32>} : memref<512x64xf32, #tpu.memory_space<vmem>>, vector<1x16xf32>,
        %get3A_52 = vector.shape_cast %get3A_51 : vector<1x16xf32> to vector<16xf32>
        %swap3A_53 = arith.index_cast %scan3A_41 : i32 to index
        %swap3A_54 = arith.constant 16 : index
        %swap3A_55 = tpu.vector_load %arg14[%swap3A_53, %swap3A_54] {strides = array<i32>} : memref<512x64xf32, #tpu.memory_space<vmem>>, vector<1x16xf32>,
        %swap3A_56 = vector.shape_cast %swap3A_55 : vector<1x16xf32> to vector<16xf32>
        %swap3A_57 = vector.shape_cast %get3A_52 : vector<16xf32> to vector<1x16xf32>
        tpu.vector_store %arg14[%swap3A_53, %swap3A_54], %swap3A_57 {add = true, strides = array<i32>} : memref<512x64xf32, #tpu.memory_space<vmem>>, vector<1x16xf32>,
        %get3A_58 = arith.index_cast %scan3A_41 : i32 to index
        %get3A_59 = arith.constant 32 : index
        %get3A_60 = tpu.vector_load %arg15[%get3A_58, %get3A_59] {strides = array<i32>} : memref<512x64xf32, #tpu.memory_space<vmem>>, vector<1x16xf32>,
        %get3A_61 = vector.shape_cast %get3A_60 : vector<1x16xf32> to vector<16xf32>
        %swap3A_62 = arith.index_cast %scan3A_41 : i32 to index
        %swap3A_63 = arith.constant 32 : index
        %swap3A_64 = tpu.vector_load %arg14[%swap3A_62, %swap3A_63] {strides = array<i32>} : memref<512x64xf32, #tpu.memory_space<vmem>>, vector<1x16xf32>,
        %swap3A_65 = vector.shape_cast %swap3A_64 : vector<1x16xf32> to vector<16xf32>
        %swap3A_66 = vector.shape_cast %get3A_61 : vector<16xf32> to vector<1x16xf32>
        tpu.vector_store %arg14[%swap3A_62, %swap3A_63], %swap3A_66 {add = true, strides = array<i32>} : memref<512x64xf32, #tpu.memory_space<vmem>>, vector<1x16xf32>,
        %get3A_67 = arith.index_cast %scan3A_41 : i32 to index
        %get3A_68 = arith.constant 48 : index
        %get3A_69 = tpu.vector_load %arg15[%get3A_67, %get3A_68] {strides = array<i32>} : memref<512x64xf32, #tpu.memory_space<vmem>>, vector<1x16xf32>,
        %get3A_70 = vector.shape_cast %get3A_69 : vector<1x16xf32> to vector<16xf32>
        %swap3A_71 = arith.index_cast %scan3A_41 : i32 to index
        %swap3A_72 = arith.constant 48 : index
        %swap3A_73 = tpu.vector_load %arg14[%swap3A_71, %swap3A_72] {strides = array<i32>} : memref<512x64xf32, #tpu.memory_space<vmem>>, vector<1x16xf32>,
        %swap3A_74 = vector.shape_cast %swap3A_73 : vector<1x16xf32> to vector<16xf32>
        %swap3A_75 = vector.shape_cast %get3A_70 : vector<16xf32> to vector<1x16xf32>
        tpu.vector_store %arg14[%swap3A_71, %swap3A_72], %swap3A_75 {add = true, strides = array<i32>} : memref<512x64xf32, #tpu.memory_space<vmem>>, vector<1x16xf32>,
      }
      %scan3A_40 = arith.constant 512 : i32
      "tpu.region"() ({
        %run_scoped3A = tpu.sem_alloc : memref<!tpu.dma_semaphore, #tpu.memory_space<semaphore_mem>>
        %dma_start3A_41 = arith.constant 0 : i32
        %dma_start3A_42 = arith.constant 0 : i32
        %dma_start3A_43 = tpu.memref_slice %arg7[%add3A_17, %dma_start3A_41, %dma_start3A_42] : memref<722x512x64xf32, #tpu.memory_space<hbm>> -> memref<1x512x64xf32, #tpu.memory_space<hbm>>
        %dma_start3A_44 = tpu.memref_squeeze %dma_start3A_43 : memref<1x512x64xf32, #tpu.memory_space<hbm>> -> memref<512x64xf32, #tpu.memory_space<hbm>>
        %dma_start3A_45 = arith.constant 0 : i32
        %dma_start3A_46 = arith.constant 0 : i32
        %dma_start3A_47 = tpu.memref_slice %arg7[%add3A_17, %dma_start3A_45, %dma_start3A_46] : memref<722x512x64xf32, #tpu.memory_space<hbm>> -> memref<1x512x64xf32, #tpu.memory_space<hbm>>
        %dma_start3A_48 = tpu.memref_squeeze %dma_start3A_47 : memref<1x512x64xf32, #tpu.memory_space<hbm>> -> memref<512x64xf32, #tpu.memory_space<hbm>>
        tpu.enqueue_dma source(%arg14 : memref<512x64xf32, #tpu.memory_space<vmem>>) target(%dma_start3A_48 : memref<512x64xf32, #tpu.memory_space<hbm>>) target_semaphore(%run_scoped3A : memref<!tpu.dma_semaphore, #tpu.memory_space<semaphore_mem>>)
        %dma_wait3A_49 = arith.constant 0 : i32
        %dma_wait3A_50 = arith.constant 0 : i32
        %dma_wait3A_51 = tpu.memref_slice %arg7[%add3A_17, %dma_wait3A_49, %dma_wait3A_50] : memref<722x512x64xf32, #tpu.memory_space<hbm>> -> memref<1x512x64xf32, #tpu.memory_space<hbm>>
        %dma_wait3A_52 = tpu.memref_squeeze %dma_wait3A_51 : memref<1x512x64xf32, #tpu.memory_space<hbm>> -> memref<512x64xf32, #tpu.memory_space<hbm>>
        %dma_wait3A_53 = arith.constant 0 : i32
        %dma_wait3A_54 = arith.constant 0 : i32
        %dma_wait3A_55 = tpu.memref_slice %arg7[%add3A_17, %dma_wait3A_53, %dma_wait3A_54] : memref<722x512x64xf32, #tpu.memory_space<hbm>> -> memref<1x512x64xf32, #tpu.memory_space<hbm>>
        %dma_wait3A_56 = tpu.memref_squeeze %dma_wait3A_55 : memref<1x512x64xf32, #tpu.memory_space<hbm>> -> memref<512x64xf32, #tpu.memory_space<hbm>>
        tpu.wait_dma2 semaphore(%run_scoped3A : memref<!tpu.dma_semaphore, #tpu.memory_space<semaphore_mem>>) src(%arg14 : memref<512x64xf32, #tpu.memory_space<vmem>>) dst(%dma_wait3A_56 : memref<512x64xf32, #tpu.memory_space<hbm>>)
        tpu.yield
      }) : () -> ()
    }
    %while3A_13 = arith.constant 1 : i32
    scf.for %while3A_14 = %while3A_11 to %while3A_7 step %while3A_13  : i32 {
      %mul3A_15 = arith.constant 32 : i32
      %mul3A_16 = arith.muli %while3A_14, %mul3A_15 : i32
      %add3A_17 = arith.addi %add3A, %mul3A_16 : i32
      %mul3A_18 = arith.constant 512 : i32
      %mul3A_19 = arith.muli %add3A_17, %mul3A_18 : i32
      "tpu.region"() ({
        %run_scoped3A = tpu.sem_alloc : memref<!tpu.dma_semaphore, #tpu.memory_space<semaphore_mem>>
        %dma_start3A_41 = tpu.memref_slice %arg3[%mul3A_19] : memref<369664xi32, #tpu.memory_space<hbm>> -> memref<512xi32, #tpu.memory_space<hbm>>
        %dma_start3A_42 = tpu.memref_slice %arg3[%mul3A_19] : memref<369664xi32, #tpu.memory_space<hbm>> -> memref<512xi32, #tpu.memory_space<hbm>>
        tpu.enqueue_dma source(%dma_start3A_42 : memref<512xi32, #tpu.memory_space<hbm>>) target(%arg8 : memref<512xi32, #tpu.memory_space<vmem>>) target_semaphore(%run_scoped3A : memref<!tpu.dma_semaphore, #tpu.memory_space<semaphore_mem>>)
        %dma_wait3A_43 = tpu.memref_slice %arg3[%mul3A_19] : memref<369664xi32, #tpu.memory_space<hbm>> -> memref<512xi32, #tpu.memory_space<hbm>>
        %dma_wait3A_44 = tpu.memref_slice %arg3[%mul3A_19] : memref<369664xi32, #tpu.memory_space<hbm>> -> memref<512xi32, #tpu.memory_space<hbm>>
        tpu.wait_dma2 semaphore(%run_scoped3A : memref<!tpu.dma_semaphore, #tpu.memory_space<semaphore_mem>>) src(%dma_wait3A_44 : memref<512xi32, #tpu.memory_space<hbm>>) dst(%arg8 : memref<512xi32, #tpu.memory_space<vmem>>)
        tpu.yield
      }) : () -> ()
      "tpu.region"() ({
        %run_scoped3A = tpu.sem_alloc : memref<!tpu.dma_semaphore, #tpu.memory_space<semaphore_mem>>
        %dma_start3A_41 = tpu.memref_slice %arg4[%mul3A_19] : memref<369664xi32, #tpu.memory_space<hbm>> -> memref<512xi32, #tpu.memory_space<hbm>>
        %dma_start3A_42 = tpu.memref_slice %arg4[%mul3A_19] : memref<369664xi32, #tpu.memory_space<hbm>> -> memref<512xi32, #tpu.memory_space<hbm>>
        tpu.enqueue_dma source(%dma_start3A_42 : memref<512xi32, #tpu.memory_space<hbm>>) target(%arg9 : memref<512xi32, #tpu.memory_space<vmem>>) target_semaphore(%run_scoped3A : memref<!tpu.dma_semaphore, #tpu.memory_space<semaphore_mem>>)
        %dma_wait3A_43 = tpu.memref_slice %arg4[%mul3A_19] : memref<369664xi32, #tpu.memory_space<hbm>> -> memref<512xi32, #tpu.memory_space<hbm>>
        %dma_wait3A_44 = tpu.memref_slice %arg4[%mul3A_19] : memref<369664xi32, #tpu.memory_space<hbm>> -> memref<512xi32, #tpu.memory_space<hbm>>
        tpu.wait_dma2 semaphore(%run_scoped3A : memref<!tpu.dma_semaphore, #tpu.memory_space<semaphore_mem>>) src(%dma_wait3A_44 : memref<512xi32, #tpu.memory_space<hbm>>) dst(%arg9 : memref<512xi32, #tpu.memory_space<vmem>>)
        tpu.yield
      }) : () -> ()
      "tpu.region"() ({
        %run_scoped3A = tpu.sem_alloc : memref<!tpu.dma_semaphore, #tpu.memory_space<semaphore_mem>>
        %dma_start3A_41 = tpu.memref_slice %arg5[%mul3A_19] : memref<369664xf32, #tpu.memory_space<hbm>> -> memref<512xf32, #tpu.memory_space<hbm>>
        %dma_start3A_42 = tpu.memref_slice %arg5[%mul3A_19] : memref<369664xf32, #tpu.memory_space<hbm>> -> memref<512xf32, #tpu.memory_space<hbm>>
        tpu.enqueue_dma source(%dma_start3A_42 : memref<512xf32, #tpu.memory_space<hbm>>) target(%arg10 : memref<512xf32, #tpu.memory_space<vmem>>) target_semaphore(%run_scoped3A : memref<!tpu.dma_semaphore, #tpu.memory_space<semaphore_mem>>)
        %dma_wait3A_43 = tpu.memref_slice %arg5[%mul3A_19] : memref<369664xf32, #tpu.memory_space<hbm>> -> memref<512xf32, #tpu.memory_space<hbm>>
        %dma_wait3A_44 = tpu.memref_slice %arg5[%mul3A_19] : memref<369664xf32, #tpu.memory_space<hbm>> -> memref<512xf32, #tpu.memory_space<hbm>>
        tpu.wait_dma2 semaphore(%run_scoped3A : memref<!tpu.dma_semaphore, #tpu.memory_space<semaphore_mem>>) src(%dma_wait3A_44 : memref<512xf32, #tpu.memory_space<hbm>>) dst(%arg10 : memref<512xf32, #tpu.memory_space<vmem>>)
        tpu.yield
      }) : () -> ()
      "tpu.region"() ({
        %run_scoped3A = tpu.sem_alloc : memref<!tpu.dma_semaphore, #tpu.memory_space<semaphore_mem>>
        %dma_start3A_41 = tpu.memref_slice %arg6[%mul3A_19] : memref<369664xf32, #tpu.memory_space<hbm>> -> memref<512xf32, #tpu.memory_space<hbm>>
        %dma_start3A_42 = tpu.memref_slice %arg6[%mul3A_19] : memref<369664xf32, #tpu.memory_space<hbm>> -> memref<512xf32, #tpu.memory_space<hbm>>
        tpu.enqueue_dma source(%dma_start3A_42 : memref<512xf32, #tpu.memory_space<hbm>>) target(%arg11 : memref<512xf32, #tpu.memory_space<vmem>>) target_semaphore(%run_scoped3A : memref<!tpu.dma_semaphore, #tpu.memory_space<semaphore_mem>>)
        %dma_wait3A_43 = tpu.memref_slice %arg6[%mul3A_19] : memref<369664xf32, #tpu.memory_space<hbm>> -> memref<512xf32, #tpu.memory_space<hbm>>
        %dma_wait3A_44 = tpu.memref_slice %arg6[%mul3A_19] : memref<369664xf32, #tpu.memory_space<hbm>> -> memref<512xf32, #tpu.memory_space<hbm>>
        tpu.wait_dma2 semaphore(%run_scoped3A : memref<!tpu.dma_semaphore, #tpu.memory_space<semaphore_mem>>) src(%dma_wait3A_44 : memref<512xf32, #tpu.memory_space<hbm>>) dst(%arg11 : memref<512xf32, #tpu.memory_space<vmem>>)
        tpu.yield
      }) : () -> ()
      %scan3A = arith.constant 0 : i32
      %scan3A_20 = arith.constant 0 : i32
      %scan3A_21 = arith.constant 32 : i32
      %scan3A_22 = arith.addi %scan3A_20, %scan3A_21 : i32
      %scan3A_23 = arith.constant 1 : i32
      scf.for %scan3A_41 = %scan3A_20 to %scan3A_22 step %scan3A_23  : i32 {
        %mul3A_42 = arith.constant 16 : i32
        %mul3A_43 = arith.muli %scan3A_41, %mul3A_42 : i32
        %get3A = arith.index_cast %mul3A_43 : i32 to index
        %get3A_44 = tpu.vector_load %arg10[%get3A] {strides = array<i32>} : memref<512xf32, #tpu.memory_space<vmem>>, vector<16xf32>,
        %get3A_45 = vector.shape_cast %get3A_44 : vector<16xf32> to vector<16xf32>
        %gt3A = arith.constant 0.000000e+00 : f32
        %gt3A_46 = vector.broadcast %gt3A : f32 to vector<16xf32>
        %gt3A_47 = arith.cmpf ogt, %get3A_45, %gt3A_46 : vector<16xf32>
        %get3A_48 = arith.index_cast %mul3A_43 : i32 to index
        %get3A_49 = tpu.vector_load %arg11[%get3A_48] {strides = array<i32>} : memref<512xf32, #tpu.memory_space<vmem>>, vector<16xf32>,
        %get3A_50 = vector.shape_cast %get3A_49 : vector<16xf32> to vector<16xf32>
        %gt3A_51 = arith.constant 0.000000e+00 : f32
        %gt3A_52 = vector.broadcast %gt3A_51 : f32 to vector<16xf32>
        %gt3A_53 = arith.cmpf ogt, %get3A_50, %gt3A_52 : vector<16xf32>
        %get3A_54 = arith.index_cast %mul3A_43 : i32 to index
        %get3A_55 = tpu.vector_load %arg8[%get3A_54] {strides = array<i32>} : memref<512xi32, #tpu.memory_space<vmem>>, vector<16xi32>,
        %get3A_56 = vector.shape_cast %get3A_55 : vector<16xi32> to vector<16xi32>
        %jit3A_57 = arith.constant 2380 : i32
        %broadcast_in_dim3A = vector.broadcast %jit3A_57 : i32 to vector<16xi32>
        %select_n3A_58 = arith.select %gt3A_47, %broadcast_in_dim3A, %get3A_56 : vector<16xi1>, vector<16xi32>
        %swap3A = arith.index_cast %mul3A_43 : i32 to index
        %swap3A_59 = tpu.vector_load %arg12[%swap3A] {strides = array<i32>} : memref<512xi32, #tpu.memory_space<vmem>>, vector<16xi32>,
        %swap3A_60 = vector.shape_cast %swap3A_59 : vector<16xi32> to vector<16xi32>
        %swap3A_61 = vector.shape_cast %select_n3A_58 : vector<16xi32> to vector<16xi32>
        tpu.vector_store %arg12[%swap3A], %swap3A_61 {strides = array<i32>} : memref<512xi32, #tpu.memory_space<vmem>>, vector<16xi32>,
        %get3A_62 = arith.index_cast %mul3A_43 : i32 to index
        %get3A_63 = tpu.vector_load %arg9[%get3A_62] {strides = array<i32>} : memref<512xi32, #tpu.memory_space<vmem>>, vector<16xi32>,
        %get3A_64 = vector.shape_cast %get3A_63 : vector<16xi32> to vector<16xi32>
        %jit3A_65 = arith.constant 2380 : i32
        %broadcast_in_dim3A_66 = vector.broadcast %jit3A_65 : i32 to vector<16xi32>
        %select_n3A_67 = arith.select %gt3A_53, %broadcast_in_dim3A_66, %get3A_64 : vector<16xi1>, vector<16xi32>
        %add3A_68 = arith.constant 2381 : i32
        %add3A_69 = vector.broadcast %add3A_68 : i32 to vector<16xi32>
        %add3A_70 = arith.addi %select_n3A_67, %add3A_69 : vector<16xi32>
        %swap3A_71 = arith.index_cast %mul3A_43 : i32 to index
        %swap3A_72 = tpu.vector_load %arg13[%swap3A_71] {strides = array<i32>} : memref<512xi32, #tpu.memory_space<vmem>>, vector<16xi32>,
        %swap3A_73 = vector.shape_cast %swap3A_72 : vector<16xi32> to vector<16xi32>
        %swap3A_74 = vector.shape_cast %add3A_70 : vector<16xi32> to vector<16xi32>
        tpu.vector_store %arg13[%swap3A_71], %swap3A_74 {strides = array<i32>} : memref<512xi32, #tpu.memory_space<vmem>>, vector<16xi32>,
      }
      %scan3A_24 = arith.constant 32 : i32
      %dma_start3A = arith.constant 0 : i32
      %dma_start3A_25 = arith.constant 0 : i32
      %dma_start3A_26 = tpu.memref_slice %arg2[%dma_start3A, %dma_start3A_25] : memref<4762x64xf32, #tpu.memory_space<hbm>> -> memref<4762x64xf32, #tpu.memory_space<hbm>>
      tpu.enqueue_indirect_dma source(%dma_start3A_26 : memref<4762x64xf32, #tpu.memory_space<hbm>>) target(%arg14 : memref<512x64xf32, #tpu.memory_space<vmem>>) offsets(%arg12 : memref<512xi32, #tpu.memory_space<vmem>>) semaphore(%arg16 : memref<!tpu.dma_semaphore, #tpu.memory_space<semaphore_mem>>)
      %dma_start3A_27 = arith.constant 0 : i32
      %dma_start3A_28 = arith.constant 0 : i32
      %dma_start3A_29 = tpu.memref_slice %arg2[%dma_start3A_27, %dma_start3A_28] : memref<4762x64xf32, #tpu.memory_space<hbm>> -> memref<4762x64xf32, #tpu.memory_space<hbm>>
      tpu.enqueue_indirect_dma source(%dma_start3A_29 : memref<4762x64xf32, #tpu.memory_space<hbm>>) target(%arg15 : memref<512x64xf32, #tpu.memory_space<vmem>>) offsets(%arg13 : memref<512xi32, #tpu.memory_space<vmem>>) semaphore(%arg17 : memref<!tpu.dma_semaphore, #tpu.memory_space<semaphore_mem>>)
      %dma_wait3A = arith.constant 0 : i32
      %dma_wait3A_30 = arith.constant 0 : i32
      %dma_wait3A_31 = tpu.memref_slice %arg2[%dma_wait3A, %dma_wait3A_30] : memref<4762x64xf32, #tpu.memory_space<hbm>> -> memref<4762x64xf32, #tpu.memory_space<hbm>>
      tpu.wait_indirect_dma semaphore(%arg16 : memref<!tpu.dma_semaphore, #tpu.memory_space<semaphore_mem>>) src(%dma_wait3A_31 : memref<4762x64xf32, #tpu.memory_space<hbm>>) dst(%arg14 : memref<512x64xf32, #tpu.memory_space<vmem>>)
      %dma_wait3A_32 = arith.constant 0 : i32
      %dma_wait3A_33 = arith.constant 0 : i32
      %dma_wait3A_34 = tpu.memref_slice %arg2[%dma_wait3A_32, %dma_wait3A_33] : memref<4762x64xf32, #tpu.memory_space<hbm>> -> memref<4762x64xf32, #tpu.memory_space<hbm>>
      tpu.wait_indirect_dma semaphore(%arg17 : memref<!tpu.dma_semaphore, #tpu.memory_space<semaphore_mem>>) src(%dma_wait3A_34 : memref<4762x64xf32, #tpu.memory_space<hbm>>) dst(%arg15 : memref<512x64xf32, #tpu.memory_space<vmem>>)
      %scan3A_35 = arith.constant 0 : i32
      %scan3A_36 = arith.constant 0 : i32
      %scan3A_37 = arith.constant 512 : i32
      %scan3A_38 = arith.addi %scan3A_36, %scan3A_37 : i32
      %scan3A_39 = arith.constant 1 : i32
      scf.for %scan3A_41 = %scan3A_36 to %scan3A_38 step %scan3A_39  : i32 {
        %get3A = arith.index_cast %scan3A_41 : i32 to index
        %get3A_42 = arith.constant 0 : index
        %get3A_43 = tpu.vector_load %arg15[%get3A, %get3A_42] {strides = array<i32>} : memref<512x64xf32, #tpu.memory_space<vmem>>, vector<1x16xf32>,
        %get3A_44 = vector.shape_cast %get3A_43 : vector<1x16xf32> to vector<16xf32>
        %swap3A = arith.index_cast %scan3A_41 : i32 to index
        %swap3A_45 = arith.constant 0 : index
        %swap3A_46 = tpu.vector_load %arg14[%swap3A, %swap3A_45] {strides = array<i32>} : memref<512x64xf32, #tpu.memory_space<vmem>>, vector<1x16xf32>,
        %swap3A_47 = vector.shape_cast %swap3A_46 : vector<1x16xf32> to vector<16xf32>
        %swap3A_48 = vector.shape_cast %get3A_44 : vector<16xf32> to vector<1x16xf32>
        tpu.vector_store %arg14[%swap3A, %swap3A_45], %swap3A_48 {add = true, strides = array<i32>} : memref<512x64xf32, #tpu.memory_space<vmem>>, vector<1x16xf32>,
        %get3A_49 = arith.index_cast %scan3A_41 : i32 to index
        %get3A_50 = arith.constant 16 : index
        %get3A_51 = tpu.vector_load %arg15[%get3A_49, %get3A_50] {strides = array<i32>} : memref<512x64xf32, #tpu.memory_space<vmem>>, vector<1x16xf32>,
        %get3A_52 = vector.shape_cast %get3A_51 : vector<1x16xf32> to vector<16xf32>
        %swap3A_53 = arith.index_cast %scan3A_41 : i32 to index
        %swap3A_54 = arith.constant 16 : index
        %swap3A_55 = tpu.vector_load %arg14[%swap3A_53, %swap3A_54] {strides = array<i32>} : memref<512x64xf32, #tpu.memory_space<vmem>>, vector<1x16xf32>,
        %swap3A_56 = vector.shape_cast %swap3A_55 : vector<1x16xf32> to vector<16xf32>
        %swap3A_57 = vector.shape_cast %get3A_52 : vector<16xf32> to vector<1x16xf32>
        tpu.vector_store %arg14[%swap3A_53, %swap3A_54], %swap3A_57 {add = true, strides = array<i32>} : memref<512x64xf32, #tpu.memory_space<vmem>>, vector<1x16xf32>,
        %get3A_58 = arith.index_cast %scan3A_41 : i32 to index
        %get3A_59 = arith.constant 32 : index
        %get3A_60 = tpu.vector_load %arg15[%get3A_58, %get3A_59] {strides = array<i32>} : memref<512x64xf32, #tpu.memory_space<vmem>>, vector<1x16xf32>,
        %get3A_61 = vector.shape_cast %get3A_60 : vector<1x16xf32> to vector<16xf32>
        %swap3A_62 = arith.index_cast %scan3A_41 : i32 to index
        %swap3A_63 = arith.constant 32 : index
        %swap3A_64 = tpu.vector_load %arg14[%swap3A_62, %swap3A_63] {strides = array<i32>} : memref<512x64xf32, #tpu.memory_space<vmem>>, vector<1x16xf32>,
        %swap3A_65 = vector.shape_cast %swap3A_64 : vector<1x16xf32> to vector<16xf32>
        %swap3A_66 = vector.shape_cast %get3A_61 : vector<16xf32> to vector<1x16xf32>
        tpu.vector_store %arg14[%swap3A_62, %swap3A_63], %swap3A_66 {add = true, strides = array<i32>} : memref<512x64xf32, #tpu.memory_space<vmem>>, vector<1x16xf32>,
        %get3A_67 = arith.index_cast %scan3A_41 : i32 to index
        %get3A_68 = arith.constant 48 : index
        %get3A_69 = tpu.vector_load %arg15[%get3A_67, %get3A_68] {strides = array<i32>} : memref<512x64xf32, #tpu.memory_space<vmem>>, vector<1x16xf32>,
        %get3A_70 = vector.shape_cast %get3A_69 : vector<1x16xf32> to vector<16xf32>
        %swap3A_71 = arith.index_cast %scan3A_41 : i32 to index
        %swap3A_72 = arith.constant 48 : index
        %swap3A_73 = tpu.vector_load %arg14[%swap3A_71, %swap3A_72] {strides = array<i32>} : memref<512x64xf32, #tpu.memory_space<vmem>>, vector<1x16xf32>,
        %swap3A_74 = vector.shape_cast %swap3A_73 : vector<1x16xf32> to vector<16xf32>
        %swap3A_75 = vector.shape_cast %get3A_70 : vector<16xf32> to vector<1x16xf32>
        tpu.vector_store %arg14[%swap3A_71, %swap3A_72], %swap3A_75 {add = true, strides = array<i32>} : memref<512x64xf32, #tpu.memory_space<vmem>>, vector<1x16xf32>,
      }
      %scan3A_40 = arith.constant 512 : i32
      "tpu.region"() ({
        %run_scoped3A = tpu.sem_alloc : memref<!tpu.dma_semaphore, #tpu.memory_space<semaphore_mem>>
        %dma_start3A_41 = arith.constant 0 : i32
        %dma_start3A_42 = arith.constant 0 : i32
        %dma_start3A_43 = tpu.memref_slice %arg7[%add3A_17, %dma_start3A_41, %dma_start3A_42] : memref<722x512x64xf32, #tpu.memory_space<hbm>> -> memref<1x512x64xf32, #tpu.memory_space<hbm>>
        %dma_start3A_44 = tpu.memref_squeeze %dma_start3A_43 : memref<1x512x64xf32, #tpu.memory_space<hbm>> -> memref<512x64xf32, #tpu.memory_space<hbm>>
        %dma_start3A_45 = arith.constant 0 : i32
        %dma_start3A_46 = arith.constant 0 : i32
        %dma_start3A_47 = tpu.memref_slice %arg7[%add3A_17, %dma_start3A_45, %dma_start3A_46] : memref<722x512x64xf32, #tpu.memory_space<hbm>> -> memref<1x512x64xf32, #tpu.memory_space<hbm>>
        %dma_start3A_48 = tpu.memref_squeeze %dma_start3A_47 : memref<1x512x64xf32, #tpu.memory_space<hbm>> -> memref<512x64xf32, #tpu.memory_space<hbm>>
        tpu.enqueue_dma source(%arg14 : memref<512x64xf32, #tpu.memory_space<vmem>>) target(%dma_start3A_48 : memref<512x64xf32, #tpu.memory_space<hbm>>) target_semaphore(%run_scoped3A : memref<!tpu.dma_semaphore, #tpu.memory_space<semaphore_mem>>)
        %dma_wait3A_49 = arith.constant 0 : i32
        %dma_wait3A_50 = arith.constant 0 : i32
        %dma_wait3A_51 = tpu.memref_slice %arg7[%add3A_17, %dma_wait3A_49, %dma_wait3A_50] : memref<722x512x64xf32, #tpu.memory_space<hbm>> -> memref<1x512x64xf32, #tpu.memory_space<hbm>>
        %dma_wait3A_52 = tpu.memref_squeeze %dma_wait3A_51 : memref<1x512x64xf32, #tpu.memory_space<hbm>> -> memref<512x64xf32, #tpu.memory_space<hbm>>
        %dma_wait3A_53 = arith.constant 0 : i32
        %dma_wait3A_54 = arith.constant 0 : i32
        %dma_wait3A_55 = tpu.memref_slice %arg7[%add3A_17, %dma_wait3A_53, %dma_wait3A_54] : memref<722x512x64xf32, #tpu.memory_space<hbm>> -> memref<1x512x64xf32, #tpu.memory_space<hbm>>
        %dma_wait3A_56 = tpu.memref_squeeze %dma_wait3A_55 : memref<1x512x64xf32, #tpu.memory_space<hbm>> -> memref<512x64xf32, #tpu.memory_space<hbm>>
        tpu.wait_dma2 semaphore(%run_scoped3A : memref<!tpu.dma_semaphore, #tpu.memory_space<semaphore_mem>>) src(%arg14 : memref<512x64xf32, #tpu.memory_space<vmem>>) dst(%dma_wait3A_56 : memref<512x64xf32, #tpu.memory_space<hbm>>)
        tpu.yield
      }) : () -> ()
    }
    return
  }
}

</mosaic_0001>

<sc_bundles>
// kernel: _sc_gather_sum.3.cloned.1.call-start
scs
__scs_entry_jumppad:
0x0: {  	(pc) =	sbr.rel $0x88, $3  }
0x1: {  	(tag) =	ssettag $0x0;
	lr =	simm.s32 $0x1  }
0x2: {  	[smem:$0x3F9C] =	sst lr;
	_ =	strace $0xD0000000  }
0x3: {  	_ = 	snop  }
0x4: {  	_ = 	snop  }
0x5: {  	_ = 	snop  }
0x6: {  	_ = 	snop  }
0x7: {  	_ = 	snop  }
__scs_overlays_trampoline_lowered:
0x8: {  	[smem:$0x3FAB] =	sst s0  }
0x9: {  	[smem:$0x3FAC] =	sst s1  }
0xa: {  	[smem:$0x3FAD] =	sst s2  }
0xb: {  	[smem:$0x3FAE] =	sst s3  }
0xc: {  	[smem:$0x3FAF] =	sst s4  }
0xd: {  	[smem:$0x3FB0] =	sst s5  }
0xe: {  	[smem:$0x3FB1] =	sst s6  }
0xf: {  	[smem:$0x3FB2] =	sst s7  }
0x10: {  	[smem:$0x3FB3] =	sst s8  }
0x11: {  	[smem:$0x3FB4] =	sst s9;
	s0 =	simm.s32 @!p0 $0x0  }
0x12: {  	s1 =	sld [smem:$0x3F9A];
	s0 =	simm.s32 @p0 $0x1  }
0x13: {  	[smem:$0x3FB5] =	sst s0;
	s0 =	simm.s32 @!p1 $0x0  }
0x14: {  	s2 =	sld [smem:$0x3F99];
	s0 =	simm.s32 @p1 $0x1  }
0x15: {  	[smem:$0x3FB6] =	sst s0;
	s0 =	simm.s32 @!p2 $0x0  }
0x16: {  	s3 =	sld [smem:$0x3FDB];
	s0 =	simm.s32 @p2 $0x1  }
0x17: {  	s4 =	simm.s32 $0x1BF5;
	[smem:$0x3FB8] =	sst s0  }
0x18: {  	s0 =	sld [smem:$0x3F9B];
	_ =	swait.ge [sflag:s4], $0x0  }
0x19: {  	s7 =	sld [smem:$0x3F9C]  }
0x1a: {  	s8 =	sadd.s32 $0xFFFFE003, lr  }
0x1b: {  	s9 =	sadd.s32 $0xFFFFFEF7, lr;
	s5 =	simm.s32 $0xFFFFFFFF;
	p2 =	slt.u32 s8, $0xFFFFF086  }
0x1c: {  	p1 =	slt.u32 s9, $0xF7A;
	s5 =	simm.s32 @!p2 $0x0  }
0x1d: {  	s5 =	simm.s32 @p1 $0x1;
	p0 =	seq.s32 s7, s2  }
0x1e: {  	s7 =	smul.u32 @!p0 $0xF7A, s2;
	p2 =	seq.s32 @!p0 s5, $0x0  }
0x1f: {  	s9 =	smul.u32 $0xF7A, s1;
	s8 =	simm.s32 @!p0 $0x1BF5;
	p2 =	por !p2, p0  }
0x20: {  	[sflag:s8] =	ssyncset.s32 @!p0 $0xFFFFF086;
	s6 =	sadd.s32 @!p0 s3, s7;
	s7 =	simm.s32 @!p0 $0x108  }
0x21: {  	s3 =	sadd.s32 s3, s9;
	s6 =	sadd.s32 @!p0 $0x88, s6;
	s7 =	simm.s32 @p2 $0x1082  }
0x22: {  	[simem:s7], [sflag:s8] =	dma.local @!p0 [hbm:s6], $0xF7A  }
0x23: {  	s9 =	sor.u32 $0xD0000000, s2;
	s6 =	simm.s32 $0x108;
	_ =	swait.ge @!p0 [sflag:s8], $0x0  }
0x24: {  	s3 =	sadd.s32 $0x88, s3;
	s6 =	simm.s32 @!p1 $0x1082;
	[sflag:s4] =	ssyncset.s32 $0xFFFFF086  }
0x25: {  	[simem:s6], [sflag:s4] =	dma.local [hbm:s3], $0xF7A  }
0x26: {  	[smem:$0x3F9C] =	sst s1;
	(tag) =	ssettag s2;
	_ =	strace s9  }
0x27: {  	s1 =	sld [smem:$0x3FAC]  }
0x28: {  	s2 =	sld [smem:$0x3FAD]  }
0x29: {  	s4 =	sld [smem:$0x3FAF]  }
0x2a: {  	p0 =	seq.s32 s5, $0x0;
	s5 =	sld [smem:$0x3FB0]  }
0x2b: {  	s6 =	sld [smem:$0x3FB1]  }
0x2c: {  	s7 =	sld [smem:$0x3FB2]  }
0x2d: {  	s3 =	simm.s32 $0x108;
	s8 =	sld [smem:$0x3FB3]  }
0x2e: {  	s3 =	simm.s32 @!p0 $0x1082;
	s9 =	sld [smem:$0x3FB4]  }
0x2f: {  	lr =	sadd.s32 s0, s3;
	s0 =	sld [smem:$0x3FAB]  }
0x30: {  	s3 =	sld [smem:$0x3FAE]  }
0x31: {  	[smem:$0x3FB7] =	sst s10  }
0x32: {  	s10 =	sld [smem:$0x3FB5];
	_ =	sdelay $0x3  }
0x33: {  	p0 =	seq.s32 s10, $0x1;
	s10 =	sld [smem:$0x3FB7];
	_ =	sdelay $0x3  }
0x34: {  	[smem:$0x3FB7] =	sst s10  }
0x35: {  	s10 =	sld [smem:$0x3FB6];
	_ =	sdelay $0x3  }
0x36: {  	p1 =	seq.s32 s10, $0x1;
	s10 =	sld [smem:$0x3FB7];
	_ =	sdelay $0x3  }
0x37: {  	[smem:$0x3FB7] =	sst s10  }
0x38: {  	s10 =	sld [smem:$0x3FB8]  }
0x39: {  	_ = 	snop;
	(pc) =	sbr.ind lr, $3  }
0x3a: {  	_ = 	snop  }
0x3b: {  	_ = 	snop  }
0x3c: {  	p2 =	seq.s32 s10, $0x1;
	s10 =	sld [smem:$0x3FB7]  }
0x3d: {  	_ =	shalt  }
0x3e: {  	_ =	shalt  }
0x3f: {  	_ =	shalt  }
0x40: {  	_ =	shalt  }
0x41: {  	_ =	shalt  }
0x42: {  	_ =	shalt  }
0x43: {  	_ =	shalt  }
0x44: {  	_ =	shalt  }
0x45: {  	_ =	shalt  }
0x46: {  	_ =	shalt  }
0x47: {  	_ =	shalt  }
0x48: {  	_ =	shalt  }
0x49: {  	_ =	shalt  }
0x4a: {  	_ =	shalt  }
0x4b: {  	_ =	shalt  }
0x4c: {  	_ =	shalt  }
0x4d: {  	_ =	shalt  }
0x4e: {  	_ =	shalt  }
0x4f: {  	_ =	shalt  }
0x50: {  	_ =	shalt  }
0x51: {  	_ =	shalt  }
0x52: {  	_ =	shalt  }
0x53: {  	_ =	shalt  }
0x54: {  	_ =	shalt  }
0x55: {  	_ =	shalt  }
0x56: {  	_ =	shalt  }
0x57: {  	_ =	shalt  }
0x58: {  	_ =	shalt  }
0x59: {  	_ =	shalt  }
0x5a: {  	_ =	shalt  }
0x5b: {  	_ =	shalt  }
0x5c: {  	_ =	shalt  }
0x5d: {  	_ =	shalt  }
0x5e: {  	_ =	shalt  }
0x5f: {  	_ =	shalt  }
0x60: {  	_ =	shalt  }
0x61: {  	_ =	shalt  }
0x62: {  	_ =	shalt  }
0x63: {  	_ =	shalt  }
0x64: {  	_ =	shalt  }
0x65: {  	_ =	shalt  }
0x66: {  	_ =	shalt  }
0x67: {  	_ =	shalt  }
0x68: {  	_ =	shalt  }
0x69: {  	_ =	shalt  }
0x6a: {  	_ =	shalt  }
0x6b: {  	_ =	shalt  }
0x6c: {  	_ =	shalt  }
0x6d: {  	_ =	shalt  }
0x6e: {  	_ =	shalt  }
0x6f: {  	_ =	shalt  }
0x70: {  	_ =	shalt  }
0x71: {  	_ =	shalt  }
0x72: {  	_ =	shalt  }
0x73: {  	_ =	shalt  }
0x74: {  	_ =	shalt  }
0x75: {  	_ =	shalt  }
0x76: {  	_ =	shalt  }
0x77: {  	_ =	shalt  }
0x78: {  	_ =	shalt  }
0x79: {  	_ =	shalt  }
0x7a: {  	_ =	shalt  }
0x7b: {  	_ =	shalt  }
0x7c: {  	_ =	shalt  }
0x7d: {  	_ =	shalt  }
0x7e: {  	_ =	shalt  }
0x7f: {  	_ =	shalt  }
0x80: {  	_ =	shalt  }
0x81: {  	_ =	shalt  }
0x82: {  	_ =	shalt  }
0x83: {  	_ =	shalt  }
0x84: {  	_ =	shalt  }
0x85: {  	_ =	shalt  }
0x86: {  	_ =	shalt  }
0x87: {  	_ =	shalt  }
.Lfunc_end0:
.L_simem_size_0:
called_computation.1_lowered:
.L_overlay_start_0:
0x88: {  	s2 =	sld [smem:$0x3FD9]  }
0x89: {  	s3 =	sld [smem:$0x3FFE];
	_ =	sdelay $0x1  }
0x8a: {  	s1 =	srdreg.scid  }
0x8b: {  	s0 =	sand.u32 $0x1, s1  }
0x8c: {  	s17 =	sshll.u32 s0, $0xA;
	s2 =	sadd.s32 s3, s2  }
0x8d: {  	s2 =	sadd.s32 s2, s17  }
0x8e: {  	[smem:$0x3FC3] =	sst s2  }
0x8f: {  	_ = 	snop  }
0x90: {  	s2 =	sld [smem:$0x3FC8]  }
0x91: {  	s18 =	sld [smem:$0x3FC7]  }
0x92: {  	s4 =	sld [smem:$0x3FC6]  }
0x93: {  	s5 =	sld [smem:$0x3FC5]  }
0x94: {  	s6 =	sld [smem:$0x3FD0];
	(tm) =	ssettm $0x1  }
0x95: {  	s7 =	sld [smem:$0x3FFB];
	_ =	sdelay $0x3  }
0x96: {  	_ =	strace s7  }
0x97: {  	s7 =	sld [smem:$0x3FFC];
	_ =	sdelay $0x3  }
0x98: {  	_ =	strace s7  }
0x99: {  	s7 =	sld [smem:$0x3FFD];
	_ =	sdelay $0x3  }
0x9a: {  	_ =	strace s7  }
0x9b: {  	_ =	strace $0x8FFFFFFF  }
0x9c: {  	s19 =	sld [smem:$0x3FDB];
	_ =	sdelay $0x1  }
0x9d: {  	s8 =	simm.s32 $_scs_section_size  }
0x9e: {  	s9 =	simm.s32 $_size__tile_overlayer_lowered;
	s10 =	simm.s32 $_tile_overlayer_lowered  }
0x9f: {  	s22 =	simm.s32 $0x1BFF;
	s21 =	sshll.u32 s10, $0x1;
	s7 =	sadd.s32 s8, s19  }
0xa0: {  	s11 =	simm.s32 $0x0;
	s20 =	sshll.u32 s9, $0x1;
	s9 =	sadd.s32 s21, s7  }
0xa1: {  	[timem:s11], [sflag:s22] =	dma.local [hbm:s9], s20  }
0xa2: {  	_ =	swait.ge [sflag:s22], s20  }
0xa3: {  	s8 =	ssub.s32 $0x0, s20;
	[sflag:s22] =	ssyncset.done $0x0  }
0xa4: {  	[sflag:s22] =	ssyncadd.s32 s8;
	_ =	sdelay $0x1  }
0xa5: {  	s23 =	simm.s32 $0x1B8B  }
0xa6: {  	_ =	swait.ge [sflag:s23], $0x1  }
0xa7: {  	[sflag:s23] =	ssyncset.done $0x0  }
0xa8: {  	s25 =	simm.s32 $0x1B8E;
	s24 =	sld [smem:$0x3FFE];
	[sflag:s23] =	ssyncadd.s32 $0xFFFFFFFF  }
0xa9: {  	s26 =	simm.s32 $execute0_lowered;
	[smem:$0x3FD2] =	sst s25  }
0xaa: {  	s9 =	sshll.u32 s26, $0x1;
	_ =	strace $0x80000046;
	[dreg:$0x1] =	wrdreg $0xFFFFFFFF  }
0xab: {  	s28 =	simm.s32 $_size_execute0_lowered;
	s7 =	sadd.s32 s7, s9;
	[dreg:$0x0] =	wrdreg $0x0  }
0xac: {  	s9 =	sshll.u32 s28, $0x1;
	[dreg:$0x2] =	wrdreg s7  }
0xad: {  	[dreg:$0x3] =	wrdreg s9  }
0xae: {  	[dreg:$0x4] =	wrdreg $0xC0  }
0xaf: {  	_ =	task [dreg:s11], $0x5FFFF  }
0xb0: {  	[dreg:$0x1] =	wrdreg $0xFFFFFFFF  }
0xb1: {  	[dreg:$0x0] =	wrdreg $0x60  }
0xb2: {  	[dreg:$0x2] =	wrdreg s24  }
0xb3: {  	[dreg:$0x3] =	wrdreg s2  }
0xb4: {  	[dreg:$0x4] =	wrdreg s18  }
0xb5: {  	[dreg:$0x5] =	wrdreg s4  }
0xb6: {  	[dreg:$0x6] =	wrdreg s5  }
0xb7: {  	[dreg:$0x7] =	wrdreg s6  }
0xb8: {  	[dreg:$0x8] =	wrdreg $0x9  }
0xb9: {  	_ =	task.clear_ibuf [dreg:s11], $0x9FFFF;
	_ =	strace $0x90000046  }
0xba: {  	s29 =	simm.s32 $0x9;
	_ =	strace $0x80000048  }
0xbb: {  	_ =	swait.ge [sflag:s29], $0x1  }
0xbc: {  	[sflag:s29] =	ssyncadd.s32 $0xFFFFFFFF  }
0xbd: {  	_ =	strace $0x90000048  }
0xbe: {  	_ =	sfence  }
0xbf: {  	s30 =	sld [smem:$0x0];
	_ =	sdelay $0x2  }
0xc0: {  	s31 =	sshll.u32 s1, $0xD;
	s1 =	sshrl.u32 s1, $0x2  }
0xc1: {  	s3 =	sand.u32 $0x4000, s31;
	s1 =	sadd.s32 s1, s30  }
0xc2: {  	s0 =	sor.u32 s3, s0;
	s1 =	sshll.u32 s1, $0x11  }
0xc3: {  	s0 =	sor.u32 s1, s0  }
0xc4: {  	s0 =	sadd.s32 $0x8F2B, s0  }
0xc5: {  	[sflag:s0] =	ssyncadd.remote.s32 $0x1  }
0xc6: {  	_ =	sfence.sel $0xFFFF  }
0xc7: {  	[dreg:$0x0] =	wrdreg $0xFFFFFFFF;
	(pc) =	sbr.abs _section_cstart, $3  }
0xc8: {  	[dreg:$0x1] =	wrdreg $0xFFFFFFFF  }
0xc9: {  	_ =	task.clear_ibuf [dreg:s11], $0x2FFFF;
	_ =	strace $0x9FFFFFFF  }
0xca: {  	(tm) =	ssettm $0x7FFFFFFF  }
0xcb: {  	_ =	shalt  }
tec
execute0_lowered:
.L_overlay_start_1:
0x0: {  	(tag) =	ssettag $0x1  }
0x1: {  	s7 =	rddreg [dreg:$0x0]  }
0x2: {  	s1 =	rddreg [dreg:$0x1]  }
0x3: {  	s2 =	rddreg [dreg:$0x2]  }
0x4: {  	s3 =	rddreg [dreg:$0x3]  }
0x5: {  	s4 =	rddreg [dreg:$0x4]  }
0x6: {  	s5 =	rddreg [dreg:$0x5]  }
0x7: {  	s0 =	rddreg [dreg:$0x6];
	s6 =	simm.s32 $0x0;
	s8 =	srdreg.scid  }
0x8: {  	s10 =	simm.s32 $0x17;
	s13 =	simm.s32 $0x3;
	s14 =	simm.s32 $0x200  }
0x9: {  	s15 =	simm.s32 $0x400;
	s16 =	simm.s32 $0x600;
	s17 =	simm.s32 $0x800  }
0xa: {  	s18 =	simm.s32 $0xC00;
	s19 =	simm.s32 $0xA00;
	s20 =	simm.s32 $0x8C00  }
0xb: {  	s21 =	simm.s32 $0x1;
	s22 =	simm.s32 $0x2;
	s8 =	sand.u32 $0x1, s8  }
0xc: {  	s23 =	simm.s32 $0x0;
	[smem:$0x7FF] =	sst s6;
	s11 =	ssub.s32 $0x2, s8  }
0xd: {  	s9 =	sadd.s32 $0x800, s7;
	s7 =	stileid.u32;
	s12 =	sshrl.u32 s11, $0x1  }
0xe: {  	_ =	strace $0x80000047;
	p0 =	slt.u32 s7, $0x9;
	s12 =	ssub.s32 s11, s12  }
0xf: {  	s10 =	simm.s32 @!p0 $0x16;
	s11 =	sshll.u32 s7, $0x1;
	s12 =	smax.u32 s12, $0x1  }
.LBB2_1:
0x10: {  	s24 =	simm.s32 $0x0  }
.LBB2_2:
0x11: {  	s25 =	sshll.u32 s24, $0x5  }
0x12: {  	s25 =	sor.u32 s25, s11  }
0x13: {  	s25 =	sor.u32 s8, s25  }
0x14: {  	s26 =	sshll.u32 s25, $0x6  }
0x15: {  	s29 =	simm.s32 $0x0;
	s28 =	sadd.s32 s1, s26  }
0x16: {  	[tilespmem:s29], [sflag:$0x3] =	stream.linear.gather [hbm4b:s28+s29], $0x200, $0x38;
	[tilespmem:$0x10C00] =	vst v63  }
0x17: {  	_ =	swait.ge [sflag:s13], $0x200  }
0x18: {  	[sflag:s13] =	ssyncset.done $0x0  }
0x19: {  	s28 =	sadd.s32 s2, s26;
	[sflag:s13] =	ssyncadd.s32 $0xFFFFFE00  }
0x1a: {  	[tilespmem:s14], [sflag:$0x3] =	stream.linear.gather [hbm4b:s28+s29], $0x200, $0x38;
	[tilespmem:$0x10C00] =	vst v63  }
0x1b: {  	_ =	swait.ge [sflag:s13], $0x200  }
0x1c: {  	[sflag:s13] =	ssyncset.done $0x0  }
0x1d: {  	s28 =	sadd.s32 s3, s26;
	[sflag:s13] =	ssyncadd.s32 $0xFFFFFE00  }
0x1e: {  	[tilespmem:s15], [sflag:$0x3] =	stream.linear.gather [hbm4b:s28+s29], $0x200, $0x38;
	[tilespmem:$0x10C00] =	vst v63  }
0x1f: {  	_ =	swait.ge [sflag:s13], $0x200  }
0x20: {  	[sflag:s13] =	ssyncset.done $0x0  }
0x21: {  	s26 =	sadd.s32 s4, s26;
	[sflag:s13] =	ssyncadd.s32 $0xFFFFFE00  }
0x22: {  	[tilespmem:s16], [sflag:$0x3] =	stream.linear.gather [hbm4b:s26+s29], $0x200, $0x38;
	[tilespmem:$0x10C00] =	vst v63  }
0x23: {  	_ =	swait.ge [sflag:s13], $0x200  }
0x24: {  	[sflag:s13] =	ssyncset.done $0x0  }
0x25: {  	s26 =	simm.s32 $0x0;
	[sflag:s13] =	ssyncadd.s32 $0xFFFFFE00  }
0x26: {  	v0 =	vld [tilespmem:s26+$0x600]  }
0x27: {  	v1 =	vld [tilespmem:s26+$0x200]  }
0x28: {  	v2 =	vld [tilespmem:s26+$0x400]  }
0x29: {  	s28 =	simm.s32 $0x40;
	v3 =	vld [tilespmem:s26+$0x0]  }
.LBB2_3:
0x2a: {  	p0 =	sne.s32 s28, $0x7C0  }
.Ltmp0:
0x2b: {  	s29 =	sshra.s32 s28, $0x2;
	(pc) =	sbr.rel @p0 .LBB2_3-.Ltmp0, $4  }
0x2c: {  	s28 =	sadd.s32 $0x40, s28;
	vm0 =	vgt.f32 v0, $0.0e+00;
	v0 =	vld [tilespmem:s29+$0x600];
	v4 =	vadd.s32 $0x94D, v1  }
0x2d: {  	v1 =	vld [tilespmem:s29+$0x200];
	vm1 =	vgt.f32 v2, $0.0e+00;
	v4 =	vsel vm0, $0x1299, v4  }
0x2e: {  	v2 =	vld [tilespmem:s29+$0x400];
	v5 =	vsel vm1, $0x94C, v3;
	[tilespmem:s26+$0xA00] =	vst v4  }
0x2f: {  	v3 =	vld [tilespmem:s29+$0x0];
	[tilespmem:s26+$0x800] =	vst v5;
	s26 =	smov.u32 s29  }
0x30: {  	_ =	sdelay $0x1  }
0x31: {  	vm0 =	vgt.f32 v0, $0.0e+00;
	v0 =	vadd.s32 $0x94D, v1  }
0x32: {  	vm1 =	vgt.f32 v2, $0.0e+00;
	v0 =	vsel vm0, $0x1299, v0  }
0x33: {  	v1 =	vsel vm1, $0x94C, v3;
	[tilespmem:s26+$0xA00] =	vst v0  }
0x34: {  	[tilespmem:s26+$0x800] =	vst v1  }
0x35: {  	[tilespmem:s18], [sflag:$0x1] =	stream.indirect.gather [hbm4b:s9+s14], $0x40, s17, s14, $0xb8;
	[tilespmem:$0x10C00] =	vst v63  }
0x36: {  	_ = 	snop  }
0x37: {  	[tilespmem:s20], [sflag:$0x2] =	stream.indirect.gather [hbm4b:s9+s14], $0x40, s19, s14, $0xb8;
	[tilespmem:$0x10C00] =	vst v63  }
0x38: {  	_ =	swait.ge [sflag:s21], $0x8000  }
0x39: {  	[sflag:s21] =	ssyncset.done $0x0  }
0x3a: {  	[sflag:s21] =	ssyncadd.s32 $0xFFFF8000  }
0x3b: {  	_ =	swait.ge [sflag:s22], $0x8000  }
0x3c: {  	[sflag:s22] =	ssyncset.done $0x0  }
0x3d: {  	s26 =	simm.s32 $0x0;
	[sflag:s22] =	ssyncadd.s32 $0xFFFF8000  }
0x3e: {  	v1 =	vld [tilespmem:s26+$0x8C30]  }
0x3f: {  	v2 =	vld [tilespmem:s26+$0x8C00]  }
0x40: {  	v3 =	vld [tilespmem:s26+$0x8C10]  }
0x41: {  	v0 =	vld [tilespmem:s26+$0x8C20];
	_ =	sdelay $0x1  }
0x42: {  	[tilespmem:s26+$0xC30] =	vst.add.f32.msk $0xffff, v1  }
0x43: {  	[tilespmem:s26+$0xC00] =	vst.add.f32.msk $0xffff, v2  }
0x44: {  	s28 =	simm.s32 $0x40;
	s29 =	simm.s32 $0x200;
	[tilespmem:s26+$0xC10] =	vst.add.f32.msk $0xffff, v3  }
.LBB2_5:
0x45: {  	p0 =	sne.s32 s29, $0x1FF00;
	v1 =	vld [tilespmem:s28+$0x8C30];
	v2 =	vmov v0  }
0x46: {  	v3 =	vld [tilespmem:s28+$0x8C00]  }
0x47: {  	v4 =	vld [tilespmem:s28+$0x8C10]  }
.Ltmp1:
0x48: {  	v0 =	vld [tilespmem:s28+$0x8C20];
	(pc) =	sbr.rel @p0 .LBB2_5-.Ltmp1, $4  }
0x49: {  	[tilespmem:s26+$0xC20] =	vst.add.f32.msk $0xffff, v2;
	s26 =	smov.u32 s28  }
0x4a: {  	[tilespmem:s26+$0xC30] =	vst.add.f32.msk $0xffff, v1  }
0x4b: {  	[tilespmem:s26+$0xC00] =	vst.add.f32.msk $0xffff, v3  }
0x4c: {  	s28 =	sshra.s32 s29, $0x2;
	s29 =	sadd.s32 $0x100, s29;
	[tilespmem:s26+$0xC10] =	vst.add.f32.msk $0xffff, v4  }
0x4d: {  	v1 =	vld [tilespmem:s28+$0x8C30]  }
0x4e: {  	v2 =	vld [tilespmem:s28+$0x8C00]  }
0x4f: {  	v3 =	vld [tilespmem:s28+$0x8C10]  }
0x50: {  	v4 =	vld [tilespmem:s28+$0x8C20]  }
0x51: {  	[tilespmem:s26+$0xC20] =	vst.add.f32.msk $0xffff, v0  }
0x52: {  	[tilespmem:s28+$0xC30] =	vst.add.f32.msk $0xffff, v1  }
0x53: {  	s24 =	sadd.s32 $0x1, s24;
	[tilespmem:s28+$0xC00] =	vst.add.f32.msk $0xffff, v2  }
0x54: {  	s25 =	sshll.u32 s25, $0xC;
	p0 =	sne.s32 s24, s10;
	[tilespmem:s28+$0xC10] =	vst.add.f32.msk $0xffff, v3  }
.Ltmp2:
0x55: {  	s25 =	sadd.s32 s5, s25;
	[tilespmem:s28+$0xC20] =	vst.add.f32.msk $0xffff, v4;
	(pc) =	sbr.rel @p0 .LBB2_2-.Ltmp2, $4  }
0x56: {  	[hbm4b:s25+s6] =	stream.linear.scatter [tilespmem:s18], [sflag:$0x3], $0x8000, $0x38;
	[tilespmem:$0x10C00] =	vst v63  }
0x57: {  	_ =	swait.ge [sflag:s13], $0x8000  }
0x58: {  	[sflag:s13] =	ssyncset.done $0x0  }
0x59: {  	[sflag:s13] =	ssyncadd.s32 $0xFFFF8000  }
0x5a: {  	s23 =	sadd.s32 $0x1, s23  }
0x5b: {  	p0 =	sne.s32 s23, s12  }
.Ltmp3:
0x5c: {  	_ = 	snop;
	(pc) =	sbr.rel @p0 .LBB2_1-.Ltmp3, $1  }
0x5d: {  	_ =	sdelay $0x3  }
0x5e: {  	_ =	sfence.sel $0x180000  }
0x5f: {  	[bflag:$0x0] =	sbarrier.arrive $0xFFFF  }
0x60: {  	p0 =	sne.s32 s7, $0x0;
	_ =	strace $0x90000047  }
0x61: {  	s0 =	sadd.s32 @!p0 $0x100000, s0;
	[bflag:$0x2] =	sbarrier.arrive $0xFFFF  }
0x62: {  	[sflag:s0] =	ssyncadd.tile.s32 @!p0 $0x1;
	_ =	shalt  }
.Lfunc_end2:
_tile_overlayer_lowered:
.L_overlay_start_2:
0x63: {  	(tag) =	ssettag $0x2  }
0x64: {  	s0 =	rddreg [dreg:$0x0];
	s2 =	stileid.u32  }
0x65: {  	s1 =	rddreg [dreg:$0x1];
	p0 =	sne.s32 s2, $0x0  }
0x66: {  	s3 =	rddreg [dreg:$0x2];
	[bflag:$0x3] =	sbarrier.arrive $0xFFFF;
	s2 =	simm.s32 @!p0 $0x1C03  }
0x67: {  	[timem:s3], [sflag:s2] =	dma.local @!p0 [hbm:s0], s1  }
0x68: {  	s0 =	simm.s32 @!p0 $0x3  }
0x69: {  	_ =	swait.ge @!p0 [sflag:s0], s1  }
0x6a: {  	s1 =	ssub.s32 @!p0 $0x0, s1;
	[sflag:s0] =	ssyncset.done @!p0 $0x0  }
0x6b: {  	[sflag:s0] =	ssyncadd.s32 @!p0 s1  }
0x6c: {  	[bflag:$0x3] =	sbarrier.arrive $0xFFFF  }
0x6d: {  	_ =	shalt  }

// kernel: sparse-core-data-format-call.cloned.1.call-start
scs
called_computation_lowered:
.L_overlay_start_0:
0x0: {  	s2 =	sld [smem:$0x3FD9]  }
0x1: {  	s3 =	sld [smem:$0x3FFE];
	_ =	sdelay $0x1  }
0x2: {  	s1 =	srdreg.scid  }
0x3: {  	s0 =	sand.u32 $0x1, s1  }
0x4: {  	s18 =	sshll.u32 s0, $0xA;
	s2 =	sadd.s32 s3, s2  }
0x5: {  	s2 =	sadd.s32 s2, s18  }
0x6: {  	[smem:$0x3FC3] =	sst s2  }
0x7: {  	_ = 	snop  }
0x8: {  	s2 =	sld [smem:$0x3FD0];
	(tm) =	ssettm $0x1  }
0x9: {  	s19 =	sld [smem:$0x3FFB];
	_ =	sdelay $0x3  }
0xa: {  	_ =	strace s19  }
0xb: {  	s3 =	sld [smem:$0x3FFC];
	_ =	sdelay $0x3  }
0xc: {  	_ =	strace s3  }
0xd: {  	s3 =	sld [smem:$0x3FFD];
	_ =	sdelay $0x3  }
0xe: {  	_ =	strace s3  }
0xf: {  	_ =	strace $0x8FFFFFFF  }
0x10: {  	s20 =	sld [smem:$0x3FDB];
	_ =	sdelay $0x1  }
0x11: {  	s4 =	simm.s32 $_scs_section_size  }
0x12: {  	s5 =	simm.s32 $_size__tile_overlayer_lowered;
	s6 =	simm.s32 $_tile_overlayer_lowered  }
0x13: {  	s23 =	simm.s32 $0x1BFF;
	s22 =	sshll.u32 s6, $0x1;
	s3 =	sadd.s32 s4, s20  }
0x14: {  	s7 =	simm.s32 $0x0;
	s21 =	sshll.u32 s5, $0x1;
	s5 =	sadd.s32 s22, s3  }
0x15: {  	[timem:s7], [sflag:s23] =	dma.local [hbm:s5], s21  }
0x16: {  	_ =	swait.ge [sflag:s23], s21  }
0x17: {  	s4 =	ssub.s32 $0x0, s21;
	[sflag:s23] =	ssyncset.done $0x0  }
0x18: {  	[sflag:s23] =	ssyncadd.s32 s4;
	_ =	sdelay $0x1  }
0x19: {  	s24 =	simm.s32 $0x1B8B  }
0x1a: {  	_ =	swait.ge [sflag:s24], $0x1  }
0x1b: {  	[sflag:s24] =	ssyncset.done $0x0  }
0x1c: {  	s26 =	simm.s32 $0x1B8E;
	s25 =	sld [smem:$0x3FFE];
	[sflag:s24] =	ssyncadd.s32 $0xFFFFFFFF  }
0x1d: {  	s27 =	simm.s32 $execute0_lowered;
	[smem:$0x3FD2] =	sst s26  }
0x1e: {  	s5 =	sshll.u32 s27, $0x1;
	_ =	strace $0x80000049;
	[dreg:$0x1] =	wrdreg $0xFFFFFFFF  }
0x1f: {  	s28 =	simm.s32 $_size_execute0_lowered;
	s3 =	sadd.s32 s3, s5;
	[dreg:$0x0] =	wrdreg $0x0  }
0x20: {  	s5 =	sshll.u32 s28, $0x1;
	[dreg:$0x2] =	wrdreg s3  }
0x21: {  	[dreg:$0x3] =	wrdreg s5  }
0x22: {  	[dreg:$0x4] =	wrdreg $0xC0  }
0x23: {  	_ =	task [dreg:s7], $0x5FFFF  }
0x24: {  	[dreg:$0x1] =	wrdreg $0xFFFFFFFF  }
0x25: {  	[dreg:$0x0] =	wrdreg $0x60  }
0x26: {  	[dreg:$0x2] =	wrdreg s25  }
0x27: {  	[dreg:$0x3] =	wrdreg s2  }
0x28: {  	[dreg:$0x4] =	wrdreg $0x9  }
0x29: {  	_ =	task.clear_ibuf [dreg:s7], $0x5FFFF;
	_ =	strace $0x90000049  }
0x2a: {  	s29 =	simm.s32 $0x9;
	_ =	strace $0x8000004B  }
0x2b: {  	_ =	swait.ge [sflag:s29], $0x1  }
0x2c: {  	[sflag:s29] =	ssyncadd.s32 $0xFFFFFFFF  }
0x2d: {  	_ =	strace $0x9000004B  }
0x2e: {  	_ =	sfence  }
0x2f: {  	s30 =	sld [smem:$0x0];
	_ =	sdelay $0x2  }
0x30: {  	s31 =	sshll.u32 s1, $0xD;
	s1 =	sshrl.u32 s1, $0x2  }
0x31: {  	s3 =	sand.u32 $0x4000, s31;
	s1 =	sadd.s32 s1, s30  }
0x32: {  	s0 =	sor.u32 s3, s0;
	s1 =	sshll.u32 s1, $0x11  }
0x33: {  	s0 =	sor.u32 s1, s0  }
0x34: {  	s0 =	sadd.s32 $0x8F2B, s0  }
0x35: {  	[sflag:s0] =	ssyncadd.remote.s32 $0x1  }
0x36: {  	_ =	sfence.sel $0xFFFF  }
0x37: {  	[dreg:$0x0] =	wrdreg $0xFFFFFFFF;
	(pc) =	sbr.abs _section_cstart, $3  }
0x38: {  	[dreg:$0x1] =	wrdreg $0xFFFFFFFF  }
0x39: {  	_ =	task.clear_ibuf [dreg:s7], $0x2FFFF;
	_ =	strace $0x9FFFFFFF  }
0x3a: {  	(tm) =	ssettm $0x7FFFFFFF  }
0x3b: {  	_ =	shalt  }
tec
execute0_lowered:
.L_overlay_start_1:
0x0: {  	(tag) =	ssettag $0x1  }
0x1: {  	s7 =	rddreg [dreg:$0x0]  }
0x2: {  	s2 =	rddreg [dreg:$0x1]  }
0x3: {  	s0 =	stileid.u32;
	s1 =	srdreg.scid;
	s31 =	simm.s32 $0x2  }
0x4: {  	s14 =	simm.s32 $0x0;
	s15 =	simm.s32 $0x0;
	s13 =	simm.s32 $0x0  }
0x5: {  	s3 =	sshll.u32 s0, $0x4;
	s4 =	sshll.u32 s1, $0x8;
	s5 =	sshll.u32 s0, $0x1  }
0x6: {  	s1 =	rddreg [dreg:$0x2];
	s4 =	sor.u32 s3, s4;
	s3 =	sand.u32 $0xE, s5  }
0x7: {  	_ =	strace $0x8000004A;
	s4 =	sand.u32 $0x180, s4;
	s5 =	ssub.s32 $0x2D2, s3  }
0x8: {  	s12 =	smov.u32 s3;
	s8 =	sshll.u32 s4, $0x4;
	s6 =	sand.u32 $0xE, s5  }
0x9: {  	s9 =	ssub.s32 $0x200, s4;
	s11 =	sshrl.u32 s5, $0x4;
	s5 =	simm.s32 $0x1  }
0xa: {  	p0 =	sne.s32 s6, $0x0;
	s6 =	simm.s32 $0x1;
	s10 =	sand.u32 $0x180, s9  }
0xb: {  	s6 =	simm.s32 @!p0 $0x0;
	p0 =	sne.s32 s10, $0x0;
	s10 =	simm.s32 $0x1  }
.Ltmp0:
0xc: {  	s9 =	sshrl.u32 s9, $0x9;
	s10 =	simm.s32 @!p0 $0x0;
	(pc) =	sbr.rel .LBB1_1-.Ltmp0, $4  }
0xd: {  	[sflag:s5] =	ssyncpa.u1 $0x0;
	s6 =	sadd.s32 s6, s11;
	s9 =	sadd.s32 s10, s9  }
0xe: {  	s8 =	sadd.s32 s8, s7;
	[sflag:s31] =	ssyncpa.u1 $0x0;
	s6 =	smul.u32 s6, s9  }
0xf: {  	s7 =	sadd.s32 $0x800, s8;
	s8 =	sadd.s32 $0x2800, s8;
	p0 =	por $0x0, $0x0  }
0x10: {  	s11 =	simm.s32 $0x1000;
	s10 =	simm.s32 $0x400;
	s9 =	sadd.s32 $0x1, s6  }
.LBB1_7:
0x11: {  	s16 =	sadd.s32 $0x10, s12  }
0x12: {  	p2 =	sgt.s32 s16, $0x2D1  }
0x13: {  	s16 =	smov.u32 @p2 s3;
	p2 =	sne.s32 s13, s9  }
.Ltmp1:
0x14: {  	p1 =	slt.u32 s13, $0x2;
	(pc) =	sbr.rel @!p2 .LBB1_8-.Ltmp1, $4  }
0x15: {  	s14 =	simm.s32 @!p1 $0x2  }
0x16: {  	s17 =	sadd.s32 $0x1, s13;
	s15 =	smov.u32 s12;
	_ =	swait.ge @!p1 [sflag:s14], $0x4000  }
0x17: {  	p0 =	por !p0, !p0;
	s13 =	smov.u32 s17;
	[sflag:s14] =	ssyncset.done @!p1 $0x0  }
0x18: {  	s12 =	smov.u32 s16;
	[sflag:s14] =	ssyncadd.s32 @!p1 $0xFFFFC000;
	s14 =	smov.u32 s4  }
.LBB1_1:
0x19: {  	p1 =	sge.u32 s13, s6  }
0x1a: {  	s16 =	sxor.u32 @!p1 $0xFFFFFFFF, s13  }
0x1b: {  	s17 =	sshll.u32 @!p1 s12, $0xD;
	s19 =	simm.s32 @!p1 $0x40;
	s16 =	sshll.u32 @!p1 s16, $0xE  }
0x1c: {  	s20 =	simm.s32 @!p1 $0x80;
	s18 =	sadd.s32 @!p1 s17, s7;
	s16 =	sand.u32 @!p1 $0x4000, s16  }
0x1d: {  	[tilespmem:s16], [sflag:$0x1] =	stream.strided.gather @!p1 [hbm4b:s18+s19], $0x2000, s20, s19, $0x38;
	[tilespmem:$0x10100] =	vst v63  }
0x1e: {  	s31 =	sadd.s32 $0xFFFFFFFF, s13;
	s17 =	sadd.s32 @!p1 s17, s8;
	s16 =	sor.u32 @!p1 $0x2000, s16  }
0x1f: {  	[tilespmem:s16], [sflag:$0x1] =	stream.strided.gather @!p1 [hbm4b:s17+s19], $0x2000, s20, s19, $0x38;
	[tilespmem:$0x10100] =	vst v63  }
0x20: {  	p1 =	sge.u32 s31, s6  }
.Ltmp2:
0x21: {  	_ = 	snop;
	(pc) =	sbr.rel @p1 .LBB1_7-.Ltmp2, $1  }
0x22: {  	_ =	sdelay $0x3  }
0x23: {  	s16 =	simm.s32 $0x1;
	s18 =	sand.u32 $0x1, s13  }
0x24: {  	_ =	swait.ge [sflag:s5], $0x4000;
	s16 =	simm.s32 @!p0 $0x0;
	s18 =	smul.u32 $0x10200, s18  }
0x25: {  	p2 =	por $0x1, $0x1;
	[sflag:s5] =	ssyncset.done $0x0;
	s17 =	smul.u32 $0x10200, s16  }
0x26: {  	s19 =	sshll.u32 s16, $0x10;
	[sflag:s5] =	ssyncadd.s32 $0xFFFFC000;
	s30 =	sshrl.u32 s18, $0x2  }
0x27: {  	s31 =	sshrl.u32 s19, $0x2;
	s19 =	simm.s32 $0x0;
	s17 =	sshrl.u32 s17, $0x2  }
0x28: {  	s16 =	sor.u32 $0x8000, s30;
	s18 =	sadd.s32 $0x20, s31;
	s17 =	sor.u32 $0x8000, s17  }
.LBB1_3:
0x29: {  	s20 =	sshll.u32 s19, $0xD  }
0x2a: {  	s20 =	sand.u32 $0x3FFFE000, s20  }
0x2b: {  	s22 =	sadd.s32 s20, s18  }
0x2c: {  	s31 =	smul.u32 $0x8100, s19;
	v3 =	vld [tilespmem:s22+$0x10]  }
0x2d: {  	v1 =	vld [tilespmem:s22+$0xFFFFFFF0]  }
0x2e: {  	s19 =	sshra.s32 s31, $0x2;
	v0 =	vld [tilespmem:s22+$0x0]  }
0x2f: {  	s19 =	sadd.s32 s19, s17;
	v2 =	vld [tilespmem:s22+$0xFFFFFFE0]  }
0x30: {  	s20 =	sadd.s32 $0x0, s19  }
0x31: {  	p1 =	por p2, p2;
	s21 =	simm.s32 $0x4;
	s22 =	sadd.s32 $0x40, s22;
	[tilespmem:s20+$0x1830 ss:$0x81] =	vst.msk $0xffff, v3  }
.LBB1_4:
0x32: {  	v3 =	vld [tilespmem:s22+$0x10];
	p2 =	sne.s32 s21, $0x1FC;
	[tilespmem:s20+$0x810 ss:$0x81] =	vst.msk $0xffff, v1;
	s23 =	smov.u32 s21;
	s21 =	sadd.s32 $0x4, s21  }
.Ltmp3:
0x33: {  	v1 =	vld [tilespmem:s22+$0xFFFFFFF0];
	[tilespmem:s20+$0x1020 ss:$0x81] =	vst.msk $0xffff, v0;
	(pc) =	sbr.rel @p2 .LBB1_4-.Ltmp3, $4  }
0x34: {  	v0 =	vld [tilespmem:s22+$0x0];
	[tilespmem:s20+$0x0 ss:$0x81] =	vst.msk $0xffff, v2  }
0x35: {  	s20 =	sshra.s32 s23, $0x2;
	v2 =	vld [tilespmem:s22+$0xFFFFFFE0]  }
0x36: {  	s20 =	sadd.s32 s20, s19  }
0x37: {  	s22 =	sadd.s32 $0x40, s22;
	[tilespmem:s20+$0x1830 ss:$0x81] =	vst.msk $0xffff, v3  }
.Ltmp4:
0x38: {  	(pc) =	sbr.rel @p1 .LBB1_3-.Ltmp4, $4  }
0x39: {  	_ = 	snop  }
0x3a: {  	[tilespmem:s20+$0x810 ss:$0x81] =	vst.msk $0xffff, v1  }
0x3b: {  	[tilespmem:s20+$0x1020 ss:$0x81] =	vst.msk $0xffff, v0  }
0x3c: {  	s19 =	simm.s32 $0x1;
	p2 =	por $0x0, $0x0;
	[tilespmem:s20+$0x0 ss:$0x81] =	vst.msk $0xffff, v2  }
.Ltmp5:
0x3d: {  	(pc) =	sbr.rel .LBB1_7-.Ltmp5, $4  }
0x3e: {  	_ = 	snop  }
0x3f: {  	s15 =	sshll.u32 s15, $0xC;
	s14 =	sadd.s32 s2, s14  }
0x40: {  	s14 =	sadd.s32 s15, s14  }
0x41: {  	[hbm4b:s14+s10] =	stream.strided.scatter [tilespmem:s16], [sflag:$0x2], $0x4000, s11, s10, $0x20;
	[tilespmem:$0x10100] =	vst v63  }
.LBB1_8:
0x42: {  	_ =	sfence.sel $0x180000  }
0x43: {  	s2 =	simm.s32 $0x1;
	[bflag:$0x0] =	sbarrier.arrive $0xFFFF  }
0x44: {  	s31 =	simm.s32 $0x2;
	[sflag:s2] =	ssyncpa.u1 $0x1  }
0x45: {  	[sflag:s31] =	ssyncpa.u1 $0x1  }
0x46: {  	p0 =	sne.s32 s0, $0x0;
	_ =	strace $0x9000004A  }
0x47: {  	s0 =	sadd.s32 @!p0 $0x100000, s1;
	[bflag:$0x2] =	sbarrier.arrive $0xFFFF  }
0x48: {  	[sflag:s0] =	ssyncadd.tile.s32 @!p0 $0x1;
	_ =	shalt  }
.Lfunc_end1:
_tile_overlayer_lowered:
.L_overlay_start_2:
0x49: {  	(tag) =	ssettag $0x2  }
0x4a: {  	s0 =	rddreg [dreg:$0x0];
	s2 =	stileid.u32  }
0x4b: {  	s1 =	rddreg [dreg:$0x1];
	p0 =	sne.s32 s2, $0x0  }
0x4c: {  	s3 =	rddreg [dreg:$0x2];
	[bflag:$0x3] =	sbarrier.arrive $0xFFFF;
	s2 =	simm.s32 @!p0 $0x1C01  }
0x4d: {  	[timem:s3], [sflag:s2] =	dma.local @!p0 [hbm:s0], s1  }
0x4e: {  	s0 =	simm.s32 @!p0 $0x1  }
0x4f: {  	_ =	swait.ge @!p0 [sflag:s0], s1  }
0x50: {  	s1 =	ssub.s32 @!p0 $0x0, s1;
	[sflag:s0] =	ssyncset.done @!p0 $0x0  }
0x51: {  	[sflag:s0] =	ssyncadd.s32 @!p0 s1  }
0x52: {  	[bflag:$0x3] =	sbarrier.arrive $0xFFFF  }
0x53: {  	_ =	shalt  }

</sc_bundles>
